<compile_context>
chip_gen: v7x
topology: tpu7x:2x2x1
jax: 0.10.2.dev20260603
libtpu: 0.0.44.dev20260713+nightly
codegen_flags: <defaults>
</compile_context>

<pallas_src>
import functools

import jax
import jax.numpy as jnp
from jax import lax
from jax.experimental import pallas as pl
from jax.experimental.pallas import tpu as pltpu
from jax.experimental.pallas import tpu_sc as plsc

B = 2
F = 128
N_LOW = 40962
N_HIGH = 163842

VB1 = 512
G1 = 81
N_LOW_PAD = G1 * VB1

NW = 32
K = 768
NCH = 7
C = K * NCH
N_HIGH_PAD = NW * C

VB3 = 512
G3 = 321


def _mm_body(x_ref, w_ref, y_ref):
    w = w_ref[...]
    for bb in range(B):
        xb = x_ref[bb]
        yb = lax.dot_general(xb, w, (((0,), (1,)), ((), ())),
                             preferred_element_type=jnp.float32)
        y_ref[bb] = yb * 0.5


_info = plsc.get_sparse_core_info()
_NC = _info.num_cores
_NS = _info.num_subcores


@functools.partial(
    pl.kernel,
    mesh=plsc.VectorSubcoreMesh(core_axis_name="c", subcore_axis_name="s"),
    compiler_params=pltpu.CompilerParams(use_tc_tiling_on_sc=False),
    out_type=jax.ShapeDtypeStruct((B, N_HIGH_PAD, F), jnp.float32),
    scratch_types=[
        pltpu.VMEM((NCH, K), jnp.int32),
        pltpu.VMEM((NCH, K), jnp.int32),
        pltpu.VMEM((K, F), jnp.float32),
        pltpu.SemaphoreType.DMA,
    ],
)
def _sc_gather(y_hbm, idx0_hbm, idx1_hbm, h_hbm, idx0_v, idx1_v, out_v, sem):
    wid = lax.axis_index("s") * _NC + lax.axis_index("c")
    pltpu.sync_copy(idx0_hbm.at[wid], idx0_v)
    pltpu.sync_copy(idx1_hbm.at[wid], idx1_v)
    base = wid * C

    for bb in range(B):
        def chunk(j, carry):
            pltpu.async_copy(y_hbm.at[bb].at[idx0_v.at[j]], out_v, sem).wait()
            pltpu.async_copy(
                y_hbm.at[bb].at[idx1_v.at[j]], out_v, sem, add=True).wait()
            pltpu.sync_copy(out_v, h_hbm.at[bb].at[pl.ds(base + j * K, K)])
            return carry

        lax.fori_loop(0, NCH, chunk, 0)


def _tr_body(h_ref, bias_ref, o_ref):
    for bb in range(B):
        o_ref[bb] = jnp.transpose(h_ref[bb]) + bias_ref[...]


def kernel(x, up_neigh_indices, W, b):
    y = pl.pallas_call(
        _mm_body,
        grid=(G1,),
        in_specs=[
            pl.BlockSpec((B, F, VB1), lambda j: (0, 0, j)),
            pl.BlockSpec((F, F), lambda j: (0, 0)),
        ],
        out_specs=pl.BlockSpec((B, VB1, F), lambda j: (0, j, 0)),
        out_shape=jax.ShapeDtypeStruct((B, N_LOW_PAD, F), jnp.float32),
    )(x, W)

    idx = jnp.concatenate(
        [up_neigh_indices,
         jnp.zeros((N_HIGH_PAD - N_HIGH, 2), jnp.int32)], axis=0)
    idx0 = idx[:, 0].reshape(NW, NCH, K)
    idx1 = idx[:, 1].reshape(NW, NCH, K)

    h = _sc_gather(y, idx0, idx1)

    bias_tile = jnp.tile(b[:, None], (1, VB3))
    out = pl.pallas_call(
        _tr_body,
        grid=(G3,),
        in_specs=[
            pl.BlockSpec((B, VB3, F), lambda j: (0, j, 0)),
            pl.BlockSpec((F, VB3), lambda j: (0, 0)),
        ],
        out_specs=pl.BlockSpec((B, F, VB3), lambda j: (0, 0, j)),
        out_shape=jax.ShapeDtypeStruct((B, F, N_HIGH), jnp.float32),
    )(h, bias_tile)
    return out

# --- scband reference (transcript-rebuilt; emitter-appended) ---
"""Pipeline reference for scband-ico-up-sample-8641474199781 (READ-ONLY COPY).

The authoritative reference and input builder live on the scoring server;
editing this copy changes nothing except your own understanding.
"""

import jax, jax.numpy as jnp
import numpy as np

BATCH = 2
IN_FEATS = 128
OUT_FEATS = 128
N_LOW = 40962      # icosahedron order 6
N_HIGH = 163842    # icosahedron order 7 = N_LOW*4 - 6
NEIGH = 2


def setup_inputs(seed: int = 0) -> dict:
    key = jax.random.key(seed)
    k1, k2, k3, k4 = jax.random.split(key, 4)
    x = jax.random.normal(k1, (BATCH, IN_FEATS, N_LOW), dtype=jnp.float32)
    up_neigh_indices = jax.random.randint(
        k2, (N_HIGH, NEIGH), 0, N_LOW, dtype=jnp.int32)
    # learned parameters of nn.Linear(in_feats, out_feats)
    W = jax.random.normal(k3, (OUT_FEATS, IN_FEATS), dtype=jnp.float32) * 0.05
    b = jax.random.normal(k4, (OUT_FEATS,), dtype=jnp.float32) * 0.05
    return {"x": x, "up_neigh_indices": up_neigh_indices, "W": W, "b": b}


def reference(x, up_neigh_indices, W, b):
    # x: [B, F, n_low]; up_neigh_indices: [n_high, neigh] int
    B, F, n_low = x.shape
    n_vertices, neigh_size = up_neigh_indices.shape
    # gather neighborhood features: x[:, :, idx.reshape(-1)] -> [B, F, n_high, neigh]
    g = jnp.take(x, up_neigh_indices.reshape(-1), axis=2)
    g = g.reshape(B, F, n_vertices, neigh_size)
    # mean-interpolate over the neighborhood
    h = jnp.mean(g, axis=-1)                      # [B, F, n_high]
    # per-vertex linear layer
    h = jnp.transpose(h, (0, 2, 1))               # [B, n_high, F]
    h = h.reshape(B * n_vertices, F)
    out = h @ W.T + b                             # [B*n_high, out_feats]
    out = out.reshape(B, n_vertices, -1)
    out = jnp.transpose(out, (0, 2, 1))           # [B, out_feats, n_high]
    return out

if __name__ == "__main__":
    import jax
    _d = setup_inputs()
    print(jax.jit(kernel)(*tuple(_d.values())))

</pallas_src>

<mosaic_0001>
#map = affine_map<(d0, d1) -> (0, 0, 0)>
module attributes {stable_mosaic.version = 14 : i64} {
  func.func @_sc_gather(%arg0: i32, %arg1: i32, %arg2: memref<2x41472x128xf32, #tpu.memory_space<hbm>>, %arg3: memref<32x7x768xi32, #tpu.memory_space<hbm>>, %arg4: memref<32x7x768xi32, #tpu.memory_space<hbm>>, %arg5: memref<2x172032x128xf32, #tpu.memory_space<hbm>>, %arg6: memref<7x768xi32, #tpu.memory_space<vmem>>, %arg7: memref<7x768xi32, #tpu.memory_space<vmem>>, %arg8: memref<768x128xf32, #tpu.memory_space<vmem>>, %arg9: memref<!tpu.dma_semaphore, #tpu.memory_space<semaphore_mem>>) attributes {dimension_semantics = [#tpu.dimension_semantics<core_parallel>, #tpu.dimension_semantics<subcore_parallel>], iteration_bounds = array<i64: 2, 16>, scalar_prefetch = 0 : i64, scratch_operands = 4 : i64, tpu.core_type = #tpu.core_type<sc_vector_subcore>, window_params = [{transform_indices = #map}, {transform_indices = #map}, {transform_indices = #map}, {transform_indices = #map}]} {
    %mul3A = arith.constant 2 : i32
    %mul3A_0 = arith.muli %arg1, %mul3A : i32
    %add3A = arith.addi %mul3A_0, %arg0 : i32
    "tpu.region"() ({
      %run_scoped3A = tpu.sem_alloc : memref<!tpu.dma_semaphore, #tpu.memory_space<semaphore_mem>>
      %dma_start3A = arith.constant 0 : i32
      %dma_start3A_14 = arith.constant 0 : i32
      %dma_start3A_15 = tpu.memref_slice %arg3[%add3A, %dma_start3A, %dma_start3A_14] : memref<32x7x768xi32, #tpu.memory_space<hbm>> -> memref<1x7x768xi32, #tpu.memory_space<hbm>>
      %dma_start3A_16 = tpu.memref_squeeze %dma_start3A_15 : memref<1x7x768xi32, #tpu.memory_space<hbm>> -> memref<7x768xi32, #tpu.memory_space<hbm>>
      %dma_start3A_17 = arith.constant 0 : i32
      %dma_start3A_18 = arith.constant 0 : i32
      %dma_start3A_19 = tpu.memref_slice %arg3[%add3A, %dma_start3A_17, %dma_start3A_18] : memref<32x7x768xi32, #tpu.memory_space<hbm>> -> memref<1x7x768xi32, #tpu.memory_space<hbm>>
      %dma_start3A_20 = tpu.memref_squeeze %dma_start3A_19 : memref<1x7x768xi32, #tpu.memory_space<hbm>> -> memref<7x768xi32, #tpu.memory_space<hbm>>
      tpu.enqueue_dma source(%dma_start3A_20 : memref<7x768xi32, #tpu.memory_space<hbm>>) target(%arg6 : memref<7x768xi32, #tpu.memory_space<vmem>>) target_semaphore(%run_scoped3A : memref<!tpu.dma_semaphore, #tpu.memory_space<semaphore_mem>>)
      %dma_wait3A = arith.constant 0 : i32
      %dma_wait3A_21 = arith.constant 0 : i32
      %dma_wait3A_22 = tpu.memref_slice %arg3[%add3A, %dma_wait3A, %dma_wait3A_21] : memref<32x7x768xi32, #tpu.memory_space<hbm>> -> memref<1x7x768xi32, #tpu.memory_space<hbm>>
      %dma_wait3A_23 = tpu.memref_squeeze %dma_wait3A_22 : memref<1x7x768xi32, #tpu.memory_space<hbm>> -> memref<7x768xi32, #tpu.memory_space<hbm>>
      %dma_wait3A_24 = arith.constant 0 : i32
      %dma_wait3A_25 = arith.constant 0 : i32
      %dma_wait3A_26 = tpu.memref_slice %arg3[%add3A, %dma_wait3A_24, %dma_wait3A_25] : memref<32x7x768xi32, #tpu.memory_space<hbm>> -> memref<1x7x768xi32, #tpu.memory_space<hbm>>
      %dma_wait3A_27 = tpu.memref_squeeze %dma_wait3A_26 : memref<1x7x768xi32, #tpu.memory_space<hbm>> -> memref<7x768xi32, #tpu.memory_space<hbm>>
      tpu.wait_dma2 semaphore(%run_scoped3A : memref<!tpu.dma_semaphore, #tpu.memory_space<semaphore_mem>>) src(%dma_wait3A_27 : memref<7x768xi32, #tpu.memory_space<hbm>>) dst(%arg6 : memref<7x768xi32, #tpu.memory_space<vmem>>)
      tpu.yield
    }) : () -> ()
    "tpu.region"() ({
      %run_scoped3A = tpu.sem_alloc : memref<!tpu.dma_semaphore, #tpu.memory_space<semaphore_mem>>
      %dma_start3A = arith.constant 0 : i32
      %dma_start3A_14 = arith.constant 0 : i32
      %dma_start3A_15 = tpu.memref_slice %arg4[%add3A, %dma_start3A, %dma_start3A_14] : memref<32x7x768xi32, #tpu.memory_space<hbm>> -> memref<1x7x768xi32, #tpu.memory_space<hbm>>
      %dma_start3A_16 = tpu.memref_squeeze %dma_start3A_15 : memref<1x7x768xi32, #tpu.memory_space<hbm>> -> memref<7x768xi32, #tpu.memory_space<hbm>>
      %dma_start3A_17 = arith.constant 0 : i32
      %dma_start3A_18 = arith.constant 0 : i32
      %dma_start3A_19 = tpu.memref_slice %arg4[%add3A, %dma_start3A_17, %dma_start3A_18] : memref<32x7x768xi32, #tpu.memory_space<hbm>> -> memref<1x7x768xi32, #tpu.memory_space<hbm>>
      %dma_start3A_20 = tpu.memref_squeeze %dma_start3A_19 : memref<1x7x768xi32, #tpu.memory_space<hbm>> -> memref<7x768xi32, #tpu.memory_space<hbm>>
      tpu.enqueue_dma source(%dma_start3A_20 : memref<7x768xi32, #tpu.memory_space<hbm>>) target(%arg7 : memref<7x768xi32, #tpu.memory_space<vmem>>) target_semaphore(%run_scoped3A : memref<!tpu.dma_semaphore, #tpu.memory_space<semaphore_mem>>)
      %dma_wait3A = arith.constant 0 : i32
      %dma_wait3A_21 = arith.constant 0 : i32
      %dma_wait3A_22 = tpu.memref_slice %arg4[%add3A, %dma_wait3A, %dma_wait3A_21] : memref<32x7x768xi32, #tpu.memory_space<hbm>> -> memref<1x7x768xi32, #tpu.memory_space<hbm>>
      %dma_wait3A_23 = tpu.memref_squeeze %dma_wait3A_22 : memref<1x7x768xi32, #tpu.memory_space<hbm>> -> memref<7x768xi32, #tpu.memory_space<hbm>>
      %dma_wait3A_24 = arith.constant 0 : i32
      %dma_wait3A_25 = arith.constant 0 : i32
      %dma_wait3A_26 = tpu.memref_slice %arg4[%add3A, %dma_wait3A_24, %dma_wait3A_25] : memref<32x7x768xi32, #tpu.memory_space<hbm>> -> memref<1x7x768xi32, #tpu.memory_space<hbm>>
      %dma_wait3A_27 = tpu.memref_squeeze %dma_wait3A_26 : memref<1x7x768xi32, #tpu.memory_space<hbm>> -> memref<7x768xi32, #tpu.memory_space<hbm>>
      tpu.wait_dma2 semaphore(%run_scoped3A : memref<!tpu.dma_semaphore, #tpu.memory_space<semaphore_mem>>) src(%dma_wait3A_27 : memref<7x768xi32, #tpu.memory_space<hbm>>) dst(%arg7 : memref<7x768xi32, #tpu.memory_space<vmem>>)
      tpu.yield
    }) : () -> ()
    %mul3A_1 = arith.constant 5376 : i32
    %mul3A_2 = arith.muli %add3A, %mul3A_1 : i32
    %scan3A = arith.constant 0 : i32
    %scan3A_3 = arith.constant 0 : i32
    %scan3A_4 = arith.constant 7 : i32
    %scan3A_5 = arith.addi %scan3A_3, %scan3A_4 : i32
    %scan3A_6 = arith.constant 1 : i32
    scf.for %scan3A_14 = %scan3A_3 to %scan3A_5 step %scan3A_6  : i32 {
      %dma_start3A = arith.constant 0 : i32
      %dma_start3A_15 = arith.constant 0 : i32
      %dma_start3A_16 = tpu.memref_slice %arg6[%scan3A_14, %dma_start3A_15] : memref<7x768xi32, #tpu.memory_space<vmem>> -> memref<1x768xi32, #tpu.memory_space<vmem>>
      %dma_start3A_17 = tpu.memref_squeeze %dma_start3A_16 : memref<1x768xi32, #tpu.memory_space<vmem>> -> memref<768xi32, #tpu.memory_space<vmem>>
      %dma_start3A_18 = arith.constant 0 : i32
      %dma_start3A_19 = arith.constant 0 : i32
      %dma_start3A_20 = tpu.memref_slice %arg2[%dma_start3A, %dma_start3A_18, %dma_start3A_19] : memref<2x41472x128xf32, #tpu.memory_space<hbm>> -> memref<1x41472x128xf32, #tpu.memory_space<hbm>>
      %dma_start3A_21 = tpu.memref_squeeze %dma_start3A_20 : memref<1x41472x128xf32, #tpu.memory_space<hbm>> -> memref<41472x128xf32, #tpu.memory_space<hbm>>
      %dma_start3A_22 = arith.constant 0 : i32
      %dma_start3A_23 = arith.constant 0 : i32
      %dma_start3A_24 = tpu.memref_slice %dma_start3A_21[%dma_start3A_22, %dma_start3A_23] : memref<41472x128xf32, #tpu.memory_space<hbm>> -> memref<41472x128xf32, #tpu.memory_space<hbm>>
      tpu.enqueue_indirect_dma source(%dma_start3A_24 : memref<41472x128xf32, #tpu.memory_space<hbm>>) target(%arg8 : memref<768x128xf32, #tpu.memory_space<vmem>>) offsets(%dma_start3A_17 : memref<768xi32, #tpu.memory_space<vmem>>) semaphore(%arg9 : memref<!tpu.dma_semaphore, #tpu.memory_space<semaphore_mem>>)
      %dma_wait3A = arith.constant 0 : i32
      %dma_wait3A_25 = arith.constant 0 : i32
      %dma_wait3A_26 = tpu.memref_slice %arg6[%scan3A_14, %dma_wait3A_25] : memref<7x768xi32, #tpu.memory_space<vmem>> -> memref<1x768xi32, #tpu.memory_space<vmem>>
      %dma_wait3A_27 = tpu.memref_squeeze %dma_wait3A_26 : memref<1x768xi32, #tpu.memory_space<vmem>> -> memref<768xi32, #tpu.memory_space<vmem>>
      %dma_wait3A_28 = arith.constant 0 : i32
      %dma_wait3A_29 = arith.constant 0 : i32
      %dma_wait3A_30 = tpu.memref_slice %arg2[%dma_wait3A, %dma_wait3A_28, %dma_wait3A_29] : memref<2x41472x128xf32, #tpu.memory_space<hbm>> -> memref<1x41472x128xf32, #tpu.memory_space<hbm>>
      %dma_wait3A_31 = tpu.memref_squeeze %dma_wait3A_30 : memref<1x41472x128xf32, #tpu.memory_space<hbm>> -> memref<41472x128xf32, #tpu.memory_space<hbm>>
      %dma_wait3A_32 = arith.constant 0 : i32
      %dma_wait3A_33 = arith.constant 0 : i32
      %dma_wait3A_34 = tpu.memref_slice %dma_wait3A_31[%dma_wait3A_32, %dma_wait3A_33] : memref<41472x128xf32, #tpu.memory_space<hbm>> -> memref<41472x128xf32, #tpu.memory_space<hbm>>
      tpu.wait_indirect_dma semaphore(%arg9 : memref<!tpu.dma_semaphore, #tpu.memory_space<semaphore_mem>>) src(%dma_wait3A_34 : memref<41472x128xf32, #tpu.memory_space<hbm>>) dst(%arg8 : memref<768x128xf32, #tpu.memory_space<vmem>>)
      %dma_start3A_35 = arith.constant 0 : i32
      %dma_start3A_36 = arith.constant 0 : i32
      %dma_start3A_37 = tpu.memref_slice %arg7[%scan3A_14, %dma_start3A_36] : memref<7x768xi32, #tpu.memory_space<vmem>> -> memref<1x768xi32, #tpu.memory_space<vmem>>
      %dma_start3A_38 = tpu.memref_squeeze %dma_start3A_37 : memref<1x768xi32, #tpu.memory_space<vmem>> -> memref<768xi32, #tpu.memory_space<vmem>>
      %dma_start3A_39 = arith.constant 0 : i32
      %dma_start3A_40 = arith.constant 0 : i32
      %dma_start3A_41 = tpu.memref_slice %arg2[%dma_start3A_35, %dma_start3A_39, %dma_start3A_40] : memref<2x41472x128xf32, #tpu.memory_space<hbm>> -> memref<1x41472x128xf32, #tpu.memory_space<hbm>>
      %dma_start3A_42 = tpu.memref_squeeze %dma_start3A_41 : memref<1x41472x128xf32, #tpu.memory_space<hbm>> -> memref<41472x128xf32, #tpu.memory_space<hbm>>
      %dma_start3A_43 = arith.constant 0 : i32
      %dma_start3A_44 = arith.constant 0 : i32
      %dma_start3A_45 = tpu.memref_slice %dma_start3A_42[%dma_start3A_43, %dma_start3A_44] : memref<41472x128xf32, #tpu.memory_space<hbm>> -> memref<41472x128xf32, #tpu.memory_space<hbm>>
      tpu.enqueue_indirect_dma source(%dma_start3A_45 : memref<41472x128xf32, #tpu.memory_space<hbm>>) target(%arg8 : memref<768x128xf32, #tpu.memory_space<vmem>>) offsets(%dma_start3A_38 : memref<768xi32, #tpu.memory_space<vmem>>) semaphore(%arg9 : memref<!tpu.dma_semaphore, #tpu.memory_space<semaphore_mem>>) {add = true}
      %dma_wait3A_46 = arith.constant 0 : i32
      %dma_wait3A_47 = arith.constant 0 : i32
      %dma_wait3A_48 = tpu.memref_slice %arg7[%scan3A_14, %dma_wait3A_47] : memref<7x768xi32, #tpu.memory_space<vmem>> -> memref<1x768xi32, #tpu.memory_space<vmem>>
      %dma_wait3A_49 = tpu.memref_squeeze %dma_wait3A_48 : memref<1x768xi32, #tpu.memory_space<vmem>> -> memref<768xi32, #tpu.memory_space<vmem>>
      %dma_wait3A_50 = arith.constant 0 : i32
      %dma_wait3A_51 = arith.constant 0 : i32
      %dma_wait3A_52 = tpu.memref_slice %arg2[%dma_wait3A_46, %dma_wait3A_50, %dma_wait3A_51] : memref<2x41472x128xf32, #tpu.memory_space<hbm>> -> memref<1x41472x128xf32, #tpu.memory_space<hbm>>
      %dma_wait3A_53 = tpu.memref_squeeze %dma_wait3A_52 : memref<1x41472x128xf32, #tpu.memory_space<hbm>> -> memref<41472x128xf32, #tpu.memory_space<hbm>>
      %dma_wait3A_54 = arith.constant 0 : i32
      %dma_wait3A_55 = arith.constant 0 : i32
      %dma_wait3A_56 = tpu.memref_slice %dma_wait3A_53[%dma_wait3A_54, %dma_wait3A_55] : memref<41472x128xf32, #tpu.memory_space<hbm>> -> memref<41472x128xf32, #tpu.memory_space<hbm>>
      tpu.wait_indirect_dma semaphore(%arg9 : memref<!tpu.dma_semaphore, #tpu.memory_space<semaphore_mem>>) src(%dma_wait3A_56 : memref<41472x128xf32, #tpu.memory_space<hbm>>) dst(%arg8 : memref<768x128xf32, #tpu.memory_space<vmem>>)
      %mul3A_57 = arith.constant 768 : i32
      %mul3A_58 = arith.muli %scan3A_14, %mul3A_57 : i32
      %add3A_59 = arith.addi %mul3A_2, %mul3A_58 : i32
      %run_scoped3A = arith.constant 0 : i32
      "tpu.region"() ({
        %run_scoped3A_60 = tpu.sem_alloc : memref<!tpu.dma_semaphore, #tpu.memory_space<semaphore_mem>>
        %dma_start3A_61 = arith.constant 0 : i32
        %dma_start3A_62 = arith.constant 0 : i32
        %dma_start3A_63 = tpu.memref_slice %arg5[%run_scoped3A, %dma_start3A_61, %dma_start3A_62] : memref<2x172032x128xf32, #tpu.memory_space<hbm>> -> memref<1x172032x128xf32, #tpu.memory_space<hbm>>
        %dma_start3A_64 = tpu.memref_squeeze %dma_start3A_63 : memref<1x172032x128xf32, #tpu.memory_space<hbm>> -> memref<172032x128xf32, #tpu.memory_space<hbm>>
        %dma_start3A_65 = arith.constant 0 : i32
        %dma_start3A_66 = tpu.memref_slice %dma_start3A_64[%add3A_59, %dma_start3A_65] : memref<172032x128xf32, #tpu.memory_space<hbm>> -> memref<768x128xf32, #tpu.memory_space<hbm>>
        %dma_start3A_67 = arith.constant 0 : i32
        %dma_start3A_68 = arith.constant 0 : i32
        %dma_start3A_69 = tpu.memref_slice %arg5[%run_scoped3A, %dma_start3A_67, %dma_start3A_68] : memref<2x172032x128xf32, #tpu.memory_space<hbm>> -> memref<1x172032x128xf32, #tpu.memory_space<hbm>>
        %dma_start3A_70 = tpu.memref_squeeze %dma_start3A_69 : memref<1x172032x128xf32, #tpu.memory_space<hbm>> -> memref<172032x128xf32, #tpu.memory_space<hbm>>
        %dma_start3A_71 = arith.constant 0 : i32
        %dma_start3A_72 = tpu.memref_slice %dma_start3A_70[%add3A_59, %dma_start3A_71] : memref<172032x128xf32, #tpu.memory_space<hbm>> -> memref<768x128xf32, #tpu.memory_space<hbm>>
        tpu.enqueue_dma source(%arg8 : memref<768x128xf32, #tpu.memory_space<vmem>>) target(%dma_start3A_72 : memref<768x128xf32, #tpu.memory_space<hbm>>) target_semaphore(%run_scoped3A_60 : memref<!tpu.dma_semaphore, #tpu.memory_space<semaphore_mem>>)
        %dma_wait3A_73 = arith.constant 0 : i32
        %dma_wait3A_74 = arith.constant 0 : i32
        %dma_wait3A_75 = tpu.memref_slice %arg5[%run_scoped3A, %dma_wait3A_73, %dma_wait3A_74] : memref<2x172032x128xf32, #tpu.memory_space<hbm>> -> memref<1x172032x128xf32, #tpu.memory_space<hbm>>
        %dma_wait3A_76 = tpu.memref_squeeze %dma_wait3A_75 : memref<1x172032x128xf32, #tpu.memory_space<hbm>> -> memref<172032x128xf32, #tpu.memory_space<hbm>>
        %dma_wait3A_77 = arith.constant 0 : i32
        %dma_wait3A_78 = tpu.memref_slice %dma_wait3A_76[%add3A_59, %dma_wait3A_77] : memref<172032x128xf32, #tpu.memory_space<hbm>> -> memref<768x128xf32, #tpu.memory_space<hbm>>
        %dma_wait3A_79 = arith.constant 0 : i32
        %dma_wait3A_80 = arith.constant 0 : i32
        %dma_wait3A_81 = tpu.memref_slice %arg5[%run_scoped3A, %dma_wait3A_79, %dma_wait3A_80] : memref<2x172032x128xf32, #tpu.memory_space<hbm>> -> memref<1x172032x128xf32, #tpu.memory_space<hbm>>
        %dma_wait3A_82 = tpu.memref_squeeze %dma_wait3A_81 : memref<1x172032x128xf32, #tpu.memory_space<hbm>> -> memref<172032x128xf32, #tpu.memory_space<hbm>>
        %dma_wait3A_83 = arith.constant 0 : i32
        %dma_wait3A_84 = tpu.memref_slice %dma_wait3A_82[%add3A_59, %dma_wait3A_83] : memref<172032x128xf32, #tpu.memory_space<hbm>> -> memref<768x128xf32, #tpu.memory_space<hbm>>
        tpu.wait_dma2 semaphore(%run_scoped3A_60 : memref<!tpu.dma_semaphore, #tpu.memory_space<semaphore_mem>>) src(%arg8 : memref<768x128xf32, #tpu.memory_space<vmem>>) dst(%dma_wait3A_84 : memref<768x128xf32, #tpu.memory_space<hbm>>)
        tpu.yield
      }) : () -> ()
    }
    %scan3A_7 = arith.constant 7 : i32
    %scan3A_8 = arith.constant 0 : i32
    %scan3A_9 = arith.constant 0 : i32
    %scan3A_10 = arith.constant 7 : i32
    %scan3A_11 = arith.addi %scan3A_9, %scan3A_10 : i32
    %scan3A_12 = arith.constant 1 : i32
    scf.for %scan3A_14 = %scan3A_9 to %scan3A_11 step %scan3A_12  : i32 {
      %dma_start3A = arith.constant 1 : i32
      %dma_start3A_15 = arith.constant 0 : i32
      %dma_start3A_16 = tpu.memref_slice %arg6[%scan3A_14, %dma_start3A_15] : memref<7x768xi32, #tpu.memory_space<vmem>> -> memref<1x768xi32, #tpu.memory_space<vmem>>
      %dma_start3A_17 = tpu.memref_squeeze %dma_start3A_16 : memref<1x768xi32, #tpu.memory_space<vmem>> -> memref<768xi32, #tpu.memory_space<vmem>>
      %dma_start3A_18 = arith.constant 0 : i32
      %dma_start3A_19 = arith.constant 0 : i32
      %dma_start3A_20 = tpu.memref_slice %arg2[%dma_start3A, %dma_start3A_18, %dma_start3A_19] : memref<2x41472x128xf32, #tpu.memory_space<hbm>> -> memref<1x41472x128xf32, #tpu.memory_space<hbm>>
      %dma_start3A_21 = tpu.memref_squeeze %dma_start3A_20 : memref<1x41472x128xf32, #tpu.memory_space<hbm>> -> memref<41472x128xf32, #tpu.memory_space<hbm>>
      %dma_start3A_22 = arith.constant 0 : i32
      %dma_start3A_23 = arith.constant 0 : i32
      %dma_start3A_24 = tpu.memref_slice %dma_start3A_21[%dma_start3A_22, %dma_start3A_23] : memref<41472x128xf32, #tpu.memory_space<hbm>> -> memref<41472x128xf32, #tpu.memory_space<hbm>>
      tpu.enqueue_indirect_dma source(%dma_start3A_24 : memref<41472x128xf32, #tpu.memory_space<hbm>>) target(%arg8 : memref<768x128xf32, #tpu.memory_space<vmem>>) offsets(%dma_start3A_17 : memref<768xi32, #tpu.memory_space<vmem>>) semaphore(%arg9 : memref<!tpu.dma_semaphore, #tpu.memory_space<semaphore_mem>>)
      %dma_wait3A = arith.constant 1 : i32
      %dma_wait3A_25 = arith.constant 0 : i32
      %dma_wait3A_26 = tpu.memref_slice %arg6[%scan3A_14, %dma_wait3A_25] : memref<7x768xi32, #tpu.memory_space<vmem>> -> memref<1x768xi32, #tpu.memory_space<vmem>>
      %dma_wait3A_27 = tpu.memref_squeeze %dma_wait3A_26 : memref<1x768xi32, #tpu.memory_space<vmem>> -> memref<768xi32, #tpu.memory_space<vmem>>
      %dma_wait3A_28 = arith.constant 0 : i32
      %dma_wait3A_29 = arith.constant 0 : i32
      %dma_wait3A_30 = tpu.memref_slice %arg2[%dma_wait3A, %dma_wait3A_28, %dma_wait3A_29] : memref<2x41472x128xf32, #tpu.memory_space<hbm>> -> memref<1x41472x128xf32, #tpu.memory_space<hbm>>
      %dma_wait3A_31 = tpu.memref_squeeze %dma_wait3A_30 : memref<1x41472x128xf32, #tpu.memory_space<hbm>> -> memref<41472x128xf32, #tpu.memory_space<hbm>>
      %dma_wait3A_32 = arith.constant 0 : i32
      %dma_wait3A_33 = arith.constant 0 : i32
      %dma_wait3A_34 = tpu.memref_slice %dma_wait3A_31[%dma_wait3A_32, %dma_wait3A_33] : memref<41472x128xf32, #tpu.memory_space<hbm>> -> memref<41472x128xf32, #tpu.memory_space<hbm>>
      tpu.wait_indirect_dma semaphore(%arg9 : memref<!tpu.dma_semaphore, #tpu.memory_space<semaphore_mem>>) src(%dma_wait3A_34 : memref<41472x128xf32, #tpu.memory_space<hbm>>) dst(%arg8 : memref<768x128xf32, #tpu.memory_space<vmem>>)
      %dma_start3A_35 = arith.constant 1 : i32
      %dma_start3A_36 = arith.constant 0 : i32
      %dma_start3A_37 = tpu.memref_slice %arg7[%scan3A_14, %dma_start3A_36] : memref<7x768xi32, #tpu.memory_space<vmem>> -> memref<1x768xi32, #tpu.memory_space<vmem>>
      %dma_start3A_38 = tpu.memref_squeeze %dma_start3A_37 : memref<1x768xi32, #tpu.memory_space<vmem>> -> memref<768xi32, #tpu.memory_space<vmem>>
      %dma_start3A_39 = arith.constant 0 : i32
      %dma_start3A_40 = arith.constant 0 : i32
      %dma_start3A_41 = tpu.memref_slice %arg2[%dma_start3A_35, %dma_start3A_39, %dma_start3A_40] : memref<2x41472x128xf32, #tpu.memory_space<hbm>> -> memref<1x41472x128xf32, #tpu.memory_space<hbm>>
      %dma_start3A_42 = tpu.memref_squeeze %dma_start3A_41 : memref<1x41472x128xf32, #tpu.memory_space<hbm>> -> memref<41472x128xf32, #tpu.memory_space<hbm>>
      %dma_start3A_43 = arith.constant 0 : i32
      %dma_start3A_44 = arith.constant 0 : i32
      %dma_start3A_45 = tpu.memref_slice %dma_start3A_42[%dma_start3A_43, %dma_start3A_44] : memref<41472x128xf32, #tpu.memory_space<hbm>> -> memref<41472x128xf32, #tpu.memory_space<hbm>>
      tpu.enqueue_indirect_dma source(%dma_start3A_45 : memref<41472x128xf32, #tpu.memory_space<hbm>>) target(%arg8 : memref<768x128xf32, #tpu.memory_space<vmem>>) offsets(%dma_start3A_38 : memref<768xi32, #tpu.memory_space<vmem>>) semaphore(%arg9 : memref<!tpu.dma_semaphore, #tpu.memory_space<semaphore_mem>>) {add = true}
      %dma_wait3A_46 = arith.constant 1 : i32
      %dma_wait3A_47 = arith.constant 0 : i32
      %dma_wait3A_48 = tpu.memref_slice %arg7[%scan3A_14, %dma_wait3A_47] : memref<7x768xi32, #tpu.memory_space<vmem>> -> memref<1x768xi32, #tpu.memory_space<vmem>>
      %dma_wait3A_49 = tpu.memref_squeeze %dma_wait3A_48 : memref<1x768xi32, #tpu.memory_space<vmem>> -> memref<768xi32, #tpu.memory_space<vmem>>
      %dma_wait3A_50 = arith.constant 0 : i32
      %dma_wait3A_51 = arith.constant 0 : i32
      %dma_wait3A_52 = tpu.memref_slice %arg2[%dma_wait3A_46, %dma_wait3A_50, %dma_wait3A_51] : memref<2x41472x128xf32, #tpu.memory_space<hbm>> -> memref<1x41472x128xf32, #tpu.memory_space<hbm>>
      %dma_wait3A_53 = tpu.memref_squeeze %dma_wait3A_52 : memref<1x41472x128xf32, #tpu.memory_space<hbm>> -> memref<41472x128xf32, #tpu.memory_space<hbm>>
      %dma_wait3A_54 = arith.constant 0 : i32
      %dma_wait3A_55 = arith.constant 0 : i32
      %dma_wait3A_56 = tpu.memref_slice %dma_wait3A_53[%dma_wait3A_54, %dma_wait3A_55] : memref<41472x128xf32, #tpu.memory_space<hbm>> -> memref<41472x128xf32, #tpu.memory_space<hbm>>
      tpu.wait_indirect_dma semaphore(%arg9 : memref<!tpu.dma_semaphore, #tpu.memory_space<semaphore_mem>>) src(%dma_wait3A_56 : memref<41472x128xf32, #tpu.memory_space<hbm>>) dst(%arg8 : memref<768x128xf32, #tpu.memory_space<vmem>>)
      %mul3A_57 = arith.constant 768 : i32
      %mul3A_58 = arith.muli %scan3A_14, %mul3A_57 : i32
      %add3A_59 = arith.addi %mul3A_2, %mul3A_58 : i32
      %run_scoped3A = arith.constant 1 : i32
      "tpu.region"() ({
        %run_scoped3A_60 = tpu.sem_alloc : memref<!tpu.dma_semaphore, #tpu.memory_space<semaphore_mem>>
        %dma_start3A_61 = arith.constant 0 : i32
        %dma_start3A_62 = arith.constant 0 : i32
        %dma_start3A_63 = tpu.memref_slice %arg5[%run_scoped3A, %dma_start3A_61, %dma_start3A_62] : memref<2x172032x128xf32, #tpu.memory_space<hbm>> -> memref<1x172032x128xf32, #tpu.memory_space<hbm>>
        %dma_start3A_64 = tpu.memref_squeeze %dma_start3A_63 : memref<1x172032x128xf32, #tpu.memory_space<hbm>> -> memref<172032x128xf32, #tpu.memory_space<hbm>>
        %dma_start3A_65 = arith.constant 0 : i32
        %dma_start3A_66 = tpu.memref_slice %dma_start3A_64[%add3A_59, %dma_start3A_65] : memref<172032x128xf32, #tpu.memory_space<hbm>> -> memref<768x128xf32, #tpu.memory_space<hbm>>
        %dma_start3A_67 = arith.constant 0 : i32
        %dma_start3A_68 = arith.constant 0 : i32
        %dma_start3A_69 = tpu.memref_slice %arg5[%run_scoped3A, %dma_start3A_67, %dma_start3A_68] : memref<2x172032x128xf32, #tpu.memory_space<hbm>> -> memref<1x172032x128xf32, #tpu.memory_space<hbm>>
        %dma_start3A_70 = tpu.memref_squeeze %dma_start3A_69 : memref<1x172032x128xf32, #tpu.memory_space<hbm>> -> memref<172032x128xf32, #tpu.memory_space<hbm>>
        %dma_start3A_71 = arith.constant 0 : i32
        %dma_start3A_72 = tpu.memref_slice %dma_start3A_70[%add3A_59, %dma_start3A_71] : memref<172032x128xf32, #tpu.memory_space<hbm>> -> memref<768x128xf32, #tpu.memory_space<hbm>>
        tpu.enqueue_dma source(%arg8 : memref<768x128xf32, #tpu.memory_space<vmem>>) target(%dma_start3A_72 : memref<768x128xf32, #tpu.memory_space<hbm>>) target_semaphore(%run_scoped3A_60 : memref<!tpu.dma_semaphore, #tpu.memory_space<semaphore_mem>>)
        %dma_wait3A_73 = arith.constant 0 : i32
        %dma_wait3A_74 = arith.constant 0 : i32
        %dma_wait3A_75 = tpu.memref_slice %arg5[%run_scoped3A, %dma_wait3A_73, %dma_wait3A_74] : memref<2x172032x128xf32, #tpu.memory_space<hbm>> -> memref<1x172032x128xf32, #tpu.memory_space<hbm>>
        %dma_wait3A_76 = tpu.memref_squeeze %dma_wait3A_75 : memref<1x172032x128xf32, #tpu.memory_space<hbm>> -> memref<172032x128xf32, #tpu.memory_space<hbm>>
        %dma_wait3A_77 = arith.constant 0 : i32
        %dma_wait3A_78 = tpu.memref_slice %dma_wait3A_76[%add3A_59, %dma_wait3A_77] : memref<172032x128xf32, #tpu.memory_space<hbm>> -> memref<768x128xf32, #tpu.memory_space<hbm>>
        %dma_wait3A_79 = arith.constant 0 : i32
        %dma_wait3A_80 = arith.constant 0 : i32
        %dma_wait3A_81 = tpu.memref_slice %arg5[%run_scoped3A, %dma_wait3A_79, %dma_wait3A_80] : memref<2x172032x128xf32, #tpu.memory_space<hbm>> -> memref<1x172032x128xf32, #tpu.memory_space<hbm>>
        %dma_wait3A_82 = tpu.memref_squeeze %dma_wait3A_81 : memref<1x172032x128xf32, #tpu.memory_space<hbm>> -> memref<172032x128xf32, #tpu.memory_space<hbm>>
        %dma_wait3A_83 = arith.constant 0 : i32
        %dma_wait3A_84 = tpu.memref_slice %dma_wait3A_82[%add3A_59, %dma_wait3A_83] : memref<172032x128xf32, #tpu.memory_space<hbm>> -> memref<768x128xf32, #tpu.memory_space<hbm>>
        tpu.wait_dma2 semaphore(%run_scoped3A_60 : memref<!tpu.dma_semaphore, #tpu.memory_space<semaphore_mem>>) src(%arg8 : memref<768x128xf32, #tpu.memory_space<vmem>>) dst(%dma_wait3A_84 : memref<768x128xf32, #tpu.memory_space<hbm>>)
        tpu.yield
      }) : () -> ()
    }
    %scan3A_13 = arith.constant 7 : i32
    return
  }
}

module attributes {stable_mosaic.version = 14 : i64} {
  func.func @_mm_body(%arg0: i32, %arg1: memref<2x128x512xf32, #tpu.memory_space<vmem>>, %arg2: memref<128x128xf32, #tpu.memory_space<vmem>>, %arg3: memref<2x512x128xf32, #tpu.memory_space<vmem>>) attributes {dimension_semantics = [#tpu.dimension_semantics<arbitrary>], iteration_bounds = array<i64: 81>, scalar_prefetch = 0 : i64, scratch_operands = 0 : i64, tpu.core_type = #tpu.core_type<tc>, window_params = [{transform_indices = @transform_0, window_bounds = array<i64: 2, 128, 512>}, {pipeline_mode = #tpu.pipeline_mode<synchronous>, transform_indices = @transform_1, window_bounds = array<i64: 128, 128>}, {transform_indices = @transform_2, window_bounds = array<i64: 2, 512, 128>}]} {
    %get3A = arith.constant 0 : index
    %get3A_0 = arith.constant 0 : index
    %get3A_1 = vector.load %arg2[%get3A, %get3A_0] : memref<128x128xf32, #tpu.memory_space<vmem>>, vector<128x128xf32>
    %get3A_2 = arith.constant 0 : index
    %get3A_3 = arith.constant 0 : index
    %get3A_4 = arith.constant 0 : index
    %get3A_5 = vector.load %arg1[%get3A_2, %get3A_3, %get3A_4] : memref<2x128x512xf32, #tpu.memory_space<vmem>>, vector<1x128x512xf32>
    %get3A_6 = vector.shape_cast %get3A_5 : vector<1x128x512xf32> to vector<128x512xf32>
    %dot_general3A = arith.constant dense<0.000000e+00> : vector<512x128xf32>
    %dot_general3A_7 = tpu.matmul %get3A_6, %get3A_1, %dot_general3A {dimension_numbers = #tpu.dot_dimension_numbers<[0], [1], [1], [0], [0, 1, 1, 0], [], []>, transpose_lhs_hint = false} : vector<128x512xf32>, vector<128x128xf32>, vector<512x128xf32> -> vector<512x128xf32>
    %mul3A = arith.constant 5.000000e-01 : f32
    %mul3A_8 = vector.broadcast %mul3A : f32 to vector<512x128xf32>
    %mul3A_9 = arith.mulf %dot_general3A_7, %mul3A_8 : vector<512x128xf32>
    %swap3A = arith.constant 0 : index
    %swap3A_10 = arith.constant 0 : index
    %swap3A_11 = arith.constant 0 : index
    %swap3A_12 = vector.load %arg3[%swap3A, %swap3A_10, %swap3A_11] : memref<2x512x128xf32, #tpu.memory_space<vmem>>, vector<1x512x128xf32>
    %swap3A_13 = vector.shape_cast %swap3A_12 : vector<1x512x128xf32> to vector<512x128xf32>
    %swap3A_14 = vector.shape_cast %mul3A_9 : vector<512x128xf32> to vector<1x512x128xf32>
    tpu.vector_store %arg3[%swap3A, %swap3A_10, %swap3A_11], %swap3A_14 {strides = array<i32>} : memref<2x512x128xf32, #tpu.memory_space<vmem>>, vector<1x512x128xf32>,
    %get3A_15 = arith.constant 1 : index
    %get3A_16 = arith.constant 0 : index
    %get3A_17 = arith.constant 0 : index
    %get3A_18 = vector.load %arg1[%get3A_15, %get3A_16, %get3A_17] : memref<2x128x512xf32, #tpu.memory_space<vmem>>, vector<1x128x512xf32>
    %get3A_19 = vector.shape_cast %get3A_18 : vector<1x128x512xf32> to vector<128x512xf32>
    %dot_general3A_20 = arith.constant dense<0.000000e+00> : vector<512x128xf32>
    %dot_general3A_21 = tpu.matmul %get3A_19, %get3A_1, %dot_general3A_20 {dimension_numbers = #tpu.dot_dimension_numbers<[0], [1], [1], [0], [0, 1, 1, 0], [], []>, transpose_lhs_hint = false} : vector<128x512xf32>, vector<128x128xf32>, vector<512x128xf32> -> vector<512x128xf32>
    %mul3A_22 = arith.constant 5.000000e-01 : f32
    %mul3A_23 = vector.broadcast %mul3A_22 : f32 to vector<512x128xf32>
    %mul3A_24 = arith.mulf %dot_general3A_21, %mul3A_23 : vector<512x128xf32>
    %swap3A_25 = arith.constant 1 : index
    %swap3A_26 = arith.constant 0 : index
    %swap3A_27 = arith.constant 0 : index
    %swap3A_28 = vector.load %arg3[%swap3A_25, %swap3A_26, %swap3A_27] : memref<2x512x128xf32, #tpu.memory_space<vmem>>, vector<1x512x128xf32>
    %swap3A_29 = vector.shape_cast %swap3A_28 : vector<1x512x128xf32> to vector<512x128xf32>
    %swap3A_30 = vector.shape_cast %mul3A_24 : vector<512x128xf32> to vector<1x512x128xf32>
    tpu.vector_store %arg3[%swap3A_25, %swap3A_26, %swap3A_27], %swap3A_30 {strides = array<i32>} : memref<2x512x128xf32, #tpu.memory_space<vmem>>, vector<1x512x128xf32>,
    return
  }
  func.func @transform_0(%arg0: i32) -> (i32, i32, i32) {
    %c0_i32 = arith.constant 0 : i32
    %c0_i32_0 = arith.constant 0 : i32
    %c0_i32_1 = arith.constant 0 : i32
    return %c0_i32, %c0_i32_0, %arg0 : i32, i32, i32
  }
  func.func @transform_1(%arg0: i32) -> (i32, i32) {
    %c0_i32 = arith.constant 0 : i32
    %c0_i32_0 = arith.constant 0 : i32
    %c0_i32_1 = arith.constant 0 : i32
    return %c0_i32, %c0_i32_0 : i32, i32
  }
  func.func @transform_2(%arg0: i32) -> (i32, i32, i32) {
    %c0_i32 = arith.constant 0 : i32
    %c0_i32_0 = arith.constant 0 : i32
    %c0_i32_1 = arith.constant 0 : i32
    return %c0_i32, %arg0, %c0_i32_0 : i32, i32, i32
  }
}

module attributes {stable_mosaic.version = 14 : i64} {
  func.func @_tr_body(%arg0: i32, %arg1: memref<2x512x128xf32, #tpu.memory_space<vmem>>, %arg2: memref<128x512xf32, #tpu.memory_space<vmem>>, %arg3: memref<2x128x512xf32, #tpu.memory_space<vmem>>) attributes {dimension_semantics = [#tpu.dimension_semantics<arbitrary>], iteration_bounds = array<i64: 321>, scalar_prefetch = 0 : i64, scratch_operands = 0 : i64, tpu.core_type = #tpu.core_type<tc>, window_params = [{transform_indices = @transform_0, window_bounds = array<i64: 2, 512, 128>}, {pipeline_mode = #tpu.pipeline_mode<synchronous>, transform_indices = @transform_1, window_bounds = array<i64: 128, 512>}, {transform_indices = @transform_2, window_bounds = array<i64: 2, 128, 512>}]} {
    %get3A = arith.constant 0 : index
    %get3A_0 = arith.constant 0 : index
    %get3A_1 = arith.constant 0 : index
    %get3A_2 = vector.load %arg1[%get3A, %get3A_0, %get3A_1] : memref<2x512x128xf32, #tpu.memory_space<vmem>>, vector<1x512x128xf32>
    %get3A_3 = vector.shape_cast %get3A_2 : vector<1x512x128xf32> to vector<512x128xf32>
    %transpose3A = tpu.transpose %get3A_3, [1, 0] : vector<512x128xf32> -> vector<128x512xf32>
    %get3A_4 = arith.constant 0 : index
    %get3A_5 = arith.constant 0 : index
    %get3A_6 = vector.load %arg2[%get3A_4, %get3A_5] : memref<128x512xf32, #tpu.memory_space<vmem>>, vector<128x512xf32>
    %add3A = arith.addf %transpose3A, %get3A_6 : vector<128x512xf32>
    %swap3A = arith.constant 0 : index
    %swap3A_7 = arith.constant 0 : index
    %swap3A_8 = arith.constant 0 : index
    %swap3A_9 = vector.load %arg3[%swap3A, %swap3A_7, %swap3A_8] : memref<2x128x512xf32, #tpu.memory_space<vmem>>, vector<1x128x512xf32>
    %swap3A_10 = vector.shape_cast %swap3A_9 : vector<1x128x512xf32> to vector<128x512xf32>
    %swap3A_11 = vector.shape_cast %add3A : vector<128x512xf32> to vector<1x128x512xf32>
    tpu.vector_store %arg3[%swap3A, %swap3A_7, %swap3A_8], %swap3A_11 {strides = array<i32>} : memref<2x128x512xf32, #tpu.memory_space<vmem>>, vector<1x128x512xf32>,
    %get3A_12 = arith.constant 1 : index
    %get3A_13 = arith.constant 0 : index
    %get3A_14 = arith.constant 0 : index
    %get3A_15 = vector.load %arg1[%get3A_12, %get3A_13, %get3A_14] : memref<2x512x128xf32, #tpu.memory_space<vmem>>, vector<1x512x128xf32>
    %get3A_16 = vector.shape_cast %get3A_15 : vector<1x512x128xf32> to vector<512x128xf32>
    %transpose3A_17 = tpu.transpose %get3A_16, [1, 0] : vector<512x128xf32> -> vector<128x512xf32>
    %get3A_18 = arith.constant 0 : index
    %get3A_19 = arith.constant 0 : index
    %get3A_20 = vector.load %arg2[%get3A_18, %get3A_19] : memref<128x512xf32, #tpu.memory_space<vmem>>, vector<128x512xf32>
    %add3A_21 = arith.addf %transpose3A_17, %get3A_20 : vector<128x512xf32>
    %swap3A_22 = arith.constant 1 : index
    %swap3A_23 = arith.constant 0 : index
    %swap3A_24 = arith.constant 0 : index
    %swap3A_25 = vector.load %arg3[%swap3A_22, %swap3A_23, %swap3A_24] : memref<2x128x512xf32, #tpu.memory_space<vmem>>, vector<1x128x512xf32>
    %swap3A_26 = vector.shape_cast %swap3A_25 : vector<1x128x512xf32> to vector<128x512xf32>
    %swap3A_27 = vector.shape_cast %add3A_21 : vector<128x512xf32> to vector<1x128x512xf32>
    tpu.vector_store %arg3[%swap3A_22, %swap3A_23, %swap3A_24], %swap3A_27 {strides = array<i32>} : memref<2x128x512xf32, #tpu.memory_space<vmem>>, vector<1x128x512xf32>,
    return
  }
  func.func @transform_0(%arg0: i32) -> (i32, i32, i32) {
    %c0_i32 = arith.constant 0 : i32
    %c0_i32_0 = arith.constant 0 : i32
    %c0_i32_1 = arith.constant 0 : i32
    return %c0_i32, %arg0, %c0_i32_0 : i32, i32, i32
  }
  func.func @transform_1(%arg0: i32) -> (i32, i32) {
    %c0_i32 = arith.constant 0 : i32
    %c0_i32_0 = arith.constant 0 : i32
    %c0_i32_1 = arith.constant 0 : i32
    return %c0_i32, %c0_i32_0 : i32, i32
  }
  func.func @transform_2(%arg0: i32) -> (i32, i32, i32) {
    %c0_i32 = arith.constant 0 : i32
    %c0_i32_0 = arith.constant 0 : i32
    %c0_i32_1 = arith.constant 0 : i32
    return %c0_i32, %c0_i32_0, %arg0 : i32, i32, i32
  }
}

</mosaic_0001>

<sc_bundles>
// kernel: kernel.5.cloned.1.call-start
scs
__scs_entry_jumppad:
0x0: {  	(pc) =	sbr.rel $0x88, $3  }
0x1: {  	(tag) =	ssettag $0x0;
	lr =	simm.s32 $0x1  }
0x2: {  	[smem:$0x3F9D] =	sst lr;
	_ =	strace $0xD0000000  }
0x3: {  	_ = 	snop  }
0x4: {  	_ = 	snop  }
0x5: {  	_ = 	snop  }
0x6: {  	_ = 	snop  }
0x7: {  	_ = 	snop  }
__scs_overlays_trampoline_lowered:
0x8: {  	[smem:$0x3FAC] =	sst s0  }
0x9: {  	[smem:$0x3FAD] =	sst s1  }
0xa: {  	[smem:$0x3FAE] =	sst s2  }
0xb: {  	[smem:$0x3FAF] =	sst s3  }
0xc: {  	[smem:$0x3FB0] =	sst s4  }
0xd: {  	[smem:$0x3FB1] =	sst s5  }
0xe: {  	[smem:$0x3FB2] =	sst s6  }
0xf: {  	[smem:$0x3FB3] =	sst s7  }
0x10: {  	[smem:$0x3FB4] =	sst s8  }
0x11: {  	[smem:$0x3FB5] =	sst s9;
	s0 =	simm.s32 @!p0 $0x0  }
0x12: {  	s1 =	sld [smem:$0x3F9B];
	s0 =	simm.s32 @p0 $0x1  }
0x13: {  	[smem:$0x3FB6] =	sst s0;
	s0 =	simm.s32 @!p1 $0x0  }
0x14: {  	s2 =	sld [smem:$0x3F9A];
	s0 =	simm.s32 @p1 $0x1  }
0x15: {  	[smem:$0x3FB7] =	sst s0;
	s0 =	simm.s32 @!p2 $0x0  }
0x16: {  	s3 =	sld [smem:$0x3FDB];
	s0 =	simm.s32 @p2 $0x1  }
0x17: {  	s4 =	simm.s32 $0x1BF5;
	[smem:$0x3FB9] =	sst s0  }
0x18: {  	s0 =	sld [smem:$0x3F9C];
	_ =	swait.ge [sflag:s4], $0x0  }
0x19: {  	s7 =	sld [smem:$0x3F9D]  }
0x1a: {  	s8 =	sadd.s32 $0xFFFFE003, lr  }
0x1b: {  	s9 =	sadd.s32 $0xFFFFFEF7, lr;
	s5 =	simm.s32 $0xFFFFFFFF;
	p2 =	slt.u32 s8, $0xFFFFF086  }
0x1c: {  	p1 =	slt.u32 s9, $0xF7A;
	s5 =	simm.s32 @!p2 $0x0  }
0x1d: {  	s5 =	simm.s32 @p1 $0x1;
	p0 =	seq.s32 s7, s2  }
0x1e: {  	s7 =	smul.u32 @!p0 $0xF7A, s2;
	p2 =	seq.s32 @!p0 s5, $0x0  }
0x1f: {  	s9 =	smul.u32 $0xF7A, s1;
	s8 =	simm.s32 @!p0 $0x1BF5;
	p2 =	por !p2, p0  }
0x20: {  	[sflag:s8] =	ssyncset.s32 @!p0 $0xFFFFF086;
	s6 =	sadd.s32 @!p0 s3, s7;
	s7 =	simm.s32 @!p0 $0x108  }
0x21: {  	s3 =	sadd.s32 s3, s9;
	s6 =	sadd.s32 @!p0 $0x88, s6;
	s7 =	simm.s32 @p2 $0x1082  }
0x22: {  	[simem:s7], [sflag:s8] =	dma.local @!p0 [hbm:s6], $0xF7A  }
0x23: {  	s9 =	sor.u32 $0xD0000000, s2;
	s6 =	simm.s32 $0x108;
	_ =	swait.ge @!p0 [sflag:s8], $0x0  }
0x24: {  	s3 =	sadd.s32 $0x88, s3;
	s6 =	simm.s32 @!p1 $0x1082;
	[sflag:s4] =	ssyncset.s32 $0xFFFFF086  }
0x25: {  	[simem:s6], [sflag:s4] =	dma.local [hbm:s3], $0xF7A  }
0x26: {  	[smem:$0x3F9D] =	sst s1;
	(tag) =	ssettag s2;
	_ =	strace s9  }
0x27: {  	s1 =	sld [smem:$0x3FAD]  }
0x28: {  	s2 =	sld [smem:$0x3FAE]  }
0x29: {  	s4 =	sld [smem:$0x3FB0]  }
0x2a: {  	p0 =	seq.s32 s5, $0x0;
	s5 =	sld [smem:$0x3FB1]  }
0x2b: {  	s6 =	sld [smem:$0x3FB2]  }
0x2c: {  	s7 =	sld [smem:$0x3FB3]  }
0x2d: {  	s3 =	simm.s32 $0x108;
	s8 =	sld [smem:$0x3FB4]  }
0x2e: {  	s3 =	simm.s32 @!p0 $0x1082;
	s9 =	sld [smem:$0x3FB5]  }
0x2f: {  	lr =	sadd.s32 s0, s3;
	s0 =	sld [smem:$0x3FAC]  }
0x30: {  	s3 =	sld [smem:$0x3FAF]  }
0x31: {  	[smem:$0x3FB8] =	sst s10  }
0x32: {  	s10 =	sld [smem:$0x3FB6];
	_ =	sdelay $0x3  }
0x33: {  	p0 =	seq.s32 s10, $0x1;
	s10 =	sld [smem:$0x3FB8];
	_ =	sdelay $0x3  }
0x34: {  	[smem:$0x3FB8] =	sst s10  }
0x35: {  	s10 =	sld [smem:$0x3FB7];
	_ =	sdelay $0x3  }
0x36: {  	p1 =	seq.s32 s10, $0x1;
	s10 =	sld [smem:$0x3FB8];
	_ =	sdelay $0x3  }
0x37: {  	[smem:$0x3FB8] =	sst s10  }
0x38: {  	s10 =	sld [smem:$0x3FB9]  }
0x39: {  	_ = 	snop;
	(pc) =	sbr.ind lr, $3  }
0x3a: {  	_ = 	snop  }
0x3b: {  	_ = 	snop  }
0x3c: {  	p2 =	seq.s32 s10, $0x1;
	s10 =	sld [smem:$0x3FB8]  }
0x3d: {  	_ =	shalt  }
0x3e: {  	_ =	shalt  }
0x3f: {  	_ =	shalt  }
0x40: {  	_ =	shalt  }
0x41: {  	_ =	shalt  }
0x42: {  	_ =	shalt  }
0x43: {  	_ =	shalt  }
0x44: {  	_ =	shalt  }
0x45: {  	_ =	shalt  }
0x46: {  	_ =	shalt  }
0x47: {  	_ =	shalt  }
0x48: {  	_ =	shalt  }
0x49: {  	_ =	shalt  }
0x4a: {  	_ =	shalt  }
0x4b: {  	_ =	shalt  }
0x4c: {  	_ =	shalt  }
0x4d: {  	_ =	shalt  }
0x4e: {  	_ =	shalt  }
0x4f: {  	_ =	shalt  }
0x50: {  	_ =	shalt  }
0x51: {  	_ =	shalt  }
0x52: {  	_ =	shalt  }
0x53: {  	_ =	shalt  }
0x54: {  	_ =	shalt  }
0x55: {  	_ =	shalt  }
0x56: {  	_ =	shalt  }
0x57: {  	_ =	shalt  }
0x58: {  	_ =	shalt  }
0x59: {  	_ =	shalt  }
0x5a: {  	_ =	shalt  }
0x5b: {  	_ =	shalt  }
0x5c: {  	_ =	shalt  }
0x5d: {  	_ =	shalt  }
0x5e: {  	_ =	shalt  }
0x5f: {  	_ =	shalt  }
0x60: {  	_ =	shalt  }
0x61: {  	_ =	shalt  }
0x62: {  	_ =	shalt  }
0x63: {  	_ =	shalt  }
0x64: {  	_ =	shalt  }
0x65: {  	_ =	shalt  }
0x66: {  	_ =	shalt  }
0x67: {  	_ =	shalt  }
0x68: {  	_ =	shalt  }
0x69: {  	_ =	shalt  }
0x6a: {  	_ =	shalt  }
0x6b: {  	_ =	shalt  }
0x6c: {  	_ =	shalt  }
0x6d: {  	_ =	shalt  }
0x6e: {  	_ =	shalt  }
0x6f: {  	_ =	shalt  }
0x70: {  	_ =	shalt  }
0x71: {  	_ =	shalt  }
0x72: {  	_ =	shalt  }
0x73: {  	_ =	shalt  }
0x74: {  	_ =	shalt  }
0x75: {  	_ =	shalt  }
0x76: {  	_ =	shalt  }
0x77: {  	_ =	shalt  }
0x78: {  	_ =	shalt  }
0x79: {  	_ =	shalt  }
0x7a: {  	_ =	shalt  }
0x7b: {  	_ =	shalt  }
0x7c: {  	_ =	shalt  }
0x7d: {  	_ =	shalt  }
0x7e: {  	_ =	shalt  }
0x7f: {  	_ =	shalt  }
0x80: {  	_ =	shalt  }
0x81: {  	_ =	shalt  }
0x82: {  	_ =	shalt  }
0x83: {  	_ =	shalt  }
0x84: {  	_ =	shalt  }
0x85: {  	_ =	shalt  }
0x86: {  	_ =	shalt  }
0x87: {  	_ =	shalt  }
.Lfunc_end0:
.L_simem_size_0:
called_computation_lowered:
.L_overlay_start_0:
0x88: {  	s2 =	sld [smem:$0x3FD9]  }
0x89: {  	s3 =	sld [smem:$0x3FFE];
	_ =	sdelay $0x1  }
0x8a: {  	s1 =	srdreg.scid  }
0x8b: {  	s0 =	sand.u32 $0x1, s1  }
0x8c: {  	s17 =	sshll.u32 s0, $0xA;
	s2 =	sadd.s32 s3, s2  }
0x8d: {  	s2 =	sadd.s32 s2, s17  }
0x8e: {  	[smem:$0x3FC4] =	sst s2  }
0x8f: {  	_ = 	snop  }
0x90: {  	s2 =	sld [smem:$0x3FD0];
	(tm) =	ssettm $0x1  }
0x91: {  	s18 =	sld [smem:$0x3FFB];
	_ =	sdelay $0x3  }
0x92: {  	_ =	strace s18  }
0x93: {  	s3 =	sld [smem:$0x3FFC];
	_ =	sdelay $0x3  }
0x94: {  	_ =	strace s3  }
0x95: {  	s3 =	sld [smem:$0x3FFD];
	_ =	sdelay $0x3  }
0x96: {  	_ =	strace s3  }
0x97: {  	_ =	strace $0x8FFFFFFF  }
0x98: {  	s19 =	sld [smem:$0x3FDB];
	_ =	sdelay $0x1  }
0x99: {  	s4 =	simm.s32 $_scs_section_size  }
0x9a: {  	s5 =	simm.s32 $_size__tile_overlayer_lowered;
	s6 =	simm.s32 $_tile_overlayer_lowered  }
0x9b: {  	s22 =	simm.s32 $0x1BFF;
	s21 =	sshll.u32 s6, $0x1;
	s3 =	sadd.s32 s4, s19  }
0x9c: {  	s7 =	simm.s32 $0x0;
	s20 =	sshll.u32 s5, $0x1;
	s5 =	sadd.s32 s21, s3  }
0x9d: {  	[timem:s7], [sflag:s22] =	dma.local [hbm:s5], s20  }
0x9e: {  	_ =	swait.ge [sflag:s22], s20  }
0x9f: {  	s4 =	ssub.s32 $0x0, s20;
	[sflag:s22] =	ssyncset.done $0x0  }
0xa0: {  	[sflag:s22] =	ssyncadd.s32 s4;
	_ =	sdelay $0x1  }
0xa1: {  	s23 =	simm.s32 $0x1B8B  }
0xa2: {  	_ =	swait.ge [sflag:s23], $0x1  }
0xa3: {  	[sflag:s23] =	ssyncset.done $0x0  }
0xa4: {  	s25 =	simm.s32 $0x1B8E;
	s24 =	sld [smem:$0x3FFE];
	[sflag:s23] =	ssyncadd.s32 $0xFFFFFFFF  }
0xa5: {  	s26 =	simm.s32 $execute0_lowered;
	[smem:$0x3FD2] =	sst s25  }
0xa6: {  	s5 =	sshll.u32 s26, $0x1;
	_ =	strace $0x80000046;
	[dreg:$0x1] =	wrdreg $0xFFFFFFFF  }
0xa7: {  	s28 =	simm.s32 $_size_execute0_lowered;
	s3 =	sadd.s32 s3, s5;
	[dreg:$0x0] =	wrdreg $0x0  }
0xa8: {  	s5 =	sshll.u32 s28, $0x1;
	[dreg:$0x2] =	wrdreg s3  }
0xa9: {  	[dreg:$0x3] =	wrdreg s5  }
0xaa: {  	[dreg:$0x4] =	wrdreg $0xC0  }
0xab: {  	_ =	task [dreg:s7], $0x5FFFF  }
0xac: {  	[dreg:$0x1] =	wrdreg $0xFFFFFFFF  }
0xad: {  	[dreg:$0x0] =	wrdreg $0x60  }
0xae: {  	[dreg:$0x2] =	wrdreg s2  }
0xaf: {  	[dreg:$0x3] =	wrdreg s24  }
0xb0: {  	[dreg:$0x4] =	wrdreg $0x9  }
0xb1: {  	_ =	task.clear_ibuf [dreg:s7], $0x5FFFF;
	_ =	strace $0x90000046  }
0xb2: {  	s29 =	simm.s32 $0x9;
	_ =	strace $0x80000048  }
0xb3: {  	_ =	swait.ge [sflag:s29], $0x1  }
0xb4: {  	[sflag:s29] =	ssyncadd.s32 $0xFFFFFFFF  }
0xb5: {  	_ =	strace $0x90000048  }
0xb6: {  	_ =	sfence  }
0xb7: {  	s30 =	sld [smem:$0x0];
	_ =	sdelay $0x2  }
0xb8: {  	s31 =	sshll.u32 s1, $0xD;
	s1 =	sshrl.u32 s1, $0x2  }
0xb9: {  	s3 =	sand.u32 $0x4000, s31;
	s1 =	sadd.s32 s1, s30  }
0xba: {  	s0 =	sor.u32 s3, s0;
	s1 =	sshll.u32 s1, $0x11  }
0xbb: {  	s0 =	sor.u32 s1, s0  }
0xbc: {  	s0 =	sadd.s32 $0x8F2B, s0  }
0xbd: {  	[sflag:s0] =	ssyncadd.remote.s32 $0x1  }
0xbe: {  	_ =	sfence.sel $0xFFFF  }
0xbf: {  	[dreg:$0x0] =	wrdreg $0xFFFFFFFF;
	(pc) =	sbr.abs _section_cstart, $3  }
0xc0: {  	[dreg:$0x1] =	wrdreg $0xFFFFFFFF  }
0xc1: {  	_ =	task.clear_ibuf [dreg:s7], $0x2FFFF;
	_ =	strace $0x9FFFFFFF  }
0xc2: {  	(tm) =	ssettm $0x7FFFFFFF  }
0xc3: {  	_ =	shalt  }
tec
execute0_lowered:
.L_overlay_start_1:
0x0: {  	(tag) =	ssettag $0x1  }
0x1: {  	s1 =	srdreg.scid;
	s0 =	stileid.u32  }
0x2: {  	s28 =	sand.u32 $0x1, s1;
	s13 =	sshll.u32 s0, $0x1  }
0x3: {  	s4 =	sor.u32 s28, s13  }
0x4: {  	s2 =	rddreg [dreg:$0x0];
	s5 =	smul.u32 $0x2A0, s4  }
0x5: {  	s21 =	rddreg [dreg:$0x1];
	s30 =	smul.u32 $0x15000, s4  }
0x6: {  	s3 =	simm.s32 $0x0;
	s1 =	rddreg [dreg:$0x2];
	s14 =	sadd.s32 $0xB200, s21  }
0x7: {  	[smem:$0x7FF] =	sst s3;
	s5 =	sadd.s32 s5, s21;
	s15 =	sadd.s32 s14, s30  }
0x8: {  	_ =	strace $0x80000047;
	s6 =	sadd.s32 $0x5E00, s5;
	[dreg:$0x5] =	wrdreg s15  }
0x9: {  	s22 =	sadd.s32 $0x3000, s30;
	s5 =	sadd.s32 $0xA00, s5;
	[dreg:$0x3] =	wrdreg s6  }
0xa: {  	s23 =	sadd.s32 $0x6000, s30;
	s16 =	sadd.s32 s14, s22;
	[dreg:$0x4] =	wrdreg s5  }
0xb: {  	s24 =	sadd.s32 $0x9000, s30;
	s17 =	sadd.s32 s14, s23;
	[dreg:$0x6] =	wrdreg s16  }
0xc: {  	s25 =	sadd.s32 $0xC000, s30;
	s18 =	sadd.s32 s14, s24;
	[dreg:$0x7] =	wrdreg s17  }
0xd: {  	s26 =	sadd.s32 $0xF000, s30;
	s19 =	sadd.s32 s14, s25;
	[dreg:$0x8] =	wrdreg s18  }
0xe: {  	s29 =	sadd.s32 $0x12000, s30;
	s20 =	sadd.s32 s14, s26;
	[dreg:$0x9] =	wrdreg s19  }
0xf: {  	s4 =	sadd.s32 s14, s29;
	[dreg:$0xa] =	wrdreg s20  }
0x10: {  	[dreg:$0xb] =	wrdreg s4  }
0x11: {  	s4 =	simm.s32 $0x2;
	s6 =	rddreg [dreg:$0x3]  }
0x12: {  	[tilespmem:s3], [sflag:$0x2] =	stream.linear.gather [hbm4b:s6+s3], $0x1500, $0x38;
	[tilespmem:$0x1AA00] =	vst v63  }
0x13: {  	_ =	swait.ge [sflag:s4], $0x1500  }
0x14: {  	[sflag:s4] =	ssyncset.done $0x0  }
0x15: {  	s5 =	simm.s32 $0x1500;
	s31 =	rddreg [dreg:$0x4];
	[sflag:s4] =	ssyncadd.s32 $0xFFFFEB00  }
0x16: {  	[tilespmem:s5], [sflag:$0x2] =	stream.linear.gather [hbm4b:s31+s3], $0x1500, $0x38;
	[tilespmem:$0x1AA00] =	vst v63  }
0x17: {  	_ =	swait.ge [sflag:s4], $0x1500  }
0x18: {  	s7 =	simm.s32 $0x2A00;
	[sflag:s4] =	ssyncset.done $0x0  }
0x19: {  	s8 =	simm.s32 $0x1;
	s6 =	simm.s32 $0x300;
	[sflag:s4] =	ssyncadd.s32 $0xFFFFEB00  }
0x1a: {  	[tilespmem:s7], [sflag:$0x1] =	stream.indirect.gather [hbm4b:s2+s6], $0x80, s3, s6, $0xb8;
	[tilespmem:$0x1AA00] =	vst v63  }
0x1b: {  	_ =	swait.ge [sflag:s8], $0x18000  }
0x1c: {  	[sflag:s8] =	ssyncset.done $0x0  }
0x1d: {  	[sflag:s8] =	ssyncadd.s32 $0xFFFE8000  }
0x1e: {  	[tilespmem:s7], [sflag:$0x1] =	stream.indirect.gather.add.f32 [hbm:s2], $0x80, s5, s6, $0xb8;
	[tilespmem:$0x1AA00] =	vst v63  }
0x1f: {  	_ =	swait.ge [sflag:s8], $0x18000  }
0x20: {  	[sflag:s8] =	ssyncset.done $0x0  }
0x21: {  	s9 =	rddreg [dreg:$0x5];
	[sflag:s8] =	ssyncadd.s32 $0xFFFE8000  }
0x22: {  	[hbm4b:s9+s3] =	stream.linear.scatter [tilespmem:s7], [sflag:$0x2], $0x18000, $0x38;
	[tilespmem:$0x1AA00] =	vst v63  }
0x23: {  	_ =	swait.ge [sflag:s4], $0x18000  }
0x24: {  	[sflag:s4] =	ssyncset.done $0x0  }
0x25: {  	[sflag:s4] =	ssyncadd.s32 $0xFFFE8000  }
0x26: {  	[tilespmem:s7], [sflag:$0x1] =	stream.indirect.gather [hbm4b:s2+s6], $0x80, s6, s6, $0xb8;
	[tilespmem:$0x1AA00] =	vst v63  }
0x27: {  	_ =	swait.ge [sflag:s8], $0x18000  }
0x28: {  	[sflag:s8] =	ssyncset.done $0x0  }
0x29: {  	s9 =	simm.s32 $0x1800;
	[sflag:s8] =	ssyncadd.s32 $0xFFFE8000  }
0x2a: {  	[tilespmem:s7], [sflag:$0x1] =	stream.indirect.gather.add.f32 [hbm:s2], $0x80, s9, s6, $0xb8;
	[tilespmem:$0x1AA00] =	vst v63  }
0x2b: {  	_ =	swait.ge [sflag:s8], $0x18000  }
0x2c: {  	[sflag:s8] =	ssyncset.done $0x0  }
0x2d: {  	s10 =	rddreg [dreg:$0x6];
	[sflag:s8] =	ssyncadd.s32 $0xFFFE8000  }
0x2e: {  	[hbm4b:s10+s3] =	stream.linear.scatter [tilespmem:s7], [sflag:$0x2], $0x18000, $0x38;
	[tilespmem:$0x1AA00] =	vst v63  }
0x2f: {  	_ =	swait.ge [sflag:s4], $0x18000  }
0x30: {  	[sflag:s4] =	ssyncset.done $0x0  }
0x31: {  	s10 =	simm.s32 $0x600;
	[sflag:s4] =	ssyncadd.s32 $0xFFFE8000  }
0x32: {  	[tilespmem:s7], [sflag:$0x1] =	stream.indirect.gather [hbm4b:s2+s6], $0x80, s10, s6, $0xb8;
	[tilespmem:$0x1AA00] =	vst v63  }
0x33: {  	_ =	swait.ge [sflag:s8], $0x18000  }
0x34: {  	[sflag:s8] =	ssyncset.done $0x0  }
0x35: {  	s11 =	simm.s32 $0x1B00;
	[sflag:s8] =	ssyncadd.s32 $0xFFFE8000  }
0x36: {  	[tilespmem:s7], [sflag:$0x1] =	stream.indirect.gather.add.f32 [hbm:s2], $0x80, s11, s6, $0xb8;
	[tilespmem:$0x1AA00] =	vst v63  }
0x37: {  	_ =	swait.ge [sflag:s8], $0x18000  }
0x38: {  	[sflag:s8] =	ssyncset.done $0x0  }
0x39: {  	s12 =	rddreg [dreg:$0x7];
	[sflag:s8] =	ssyncadd.s32 $0xFFFE8000  }
0x3a: {  	[hbm4b:s12+s3] =	stream.linear.scatter [tilespmem:s7], [sflag:$0x2], $0x18000, $0x38;
	[tilespmem:$0x1AA00] =	vst v63  }
0x3b: {  	_ =	swait.ge [sflag:s4], $0x18000  }
0x3c: {  	[sflag:s4] =	ssyncset.done $0x0  }
0x3d: {  	s12 =	simm.s32 $0x900;
	[sflag:s4] =	ssyncadd.s32 $0xFFFE8000  }
0x3e: {  	[tilespmem:s7], [sflag:$0x1] =	stream.indirect.gather [hbm4b:s2+s6], $0x80, s12, s6, $0xb8;
	[tilespmem:$0x1AA00] =	vst v63  }
0x3f: {  	_ =	swait.ge [sflag:s8], $0x18000  }
0x40: {  	[sflag:s8] =	ssyncset.done $0x0  }
0x41: {  	s13 =	simm.s32 $0x1E00;
	[sflag:s8] =	ssyncadd.s32 $0xFFFE8000  }
0x42: {  	[tilespmem:s7], [sflag:$0x1] =	stream.indirect.gather.add.f32 [hbm:s2], $0x80, s13, s6, $0xb8;
	[tilespmem:$0x1AA00] =	vst v63  }
0x43: {  	_ =	swait.ge [sflag:s8], $0x18000  }
0x44: {  	[sflag:s8] =	ssyncset.done $0x0  }
0x45: {  	s14 =	rddreg [dreg:$0x8];
	[sflag:s8] =	ssyncadd.s32 $0xFFFE8000  }
0x46: {  	[hbm4b:s14+s3] =	stream.linear.scatter [tilespmem:s7], [sflag:$0x2], $0x18000, $0x38;
	[tilespmem:$0x1AA00] =	vst v63  }
0x47: {  	_ =	swait.ge [sflag:s4], $0x18000  }
0x48: {  	[sflag:s4] =	ssyncset.done $0x0  }
0x49: {  	s14 =	simm.s32 $0xC00;
	[sflag:s4] =	ssyncadd.s32 $0xFFFE8000  }
0x4a: {  	[tilespmem:s7], [sflag:$0x1] =	stream.indirect.gather [hbm4b:s2+s6], $0x80, s14, s6, $0xb8;
	[tilespmem:$0x1AA00] =	vst v63  }
0x4b: {  	_ =	swait.ge [sflag:s8], $0x18000  }
0x4c: {  	[sflag:s8] =	ssyncset.done $0x0  }
0x4d: {  	s15 =	simm.s32 $0x2100;
	[sflag:s8] =	ssyncadd.s32 $0xFFFE8000  }
0x4e: {  	[tilespmem:s7], [sflag:$0x1] =	stream.indirect.gather.add.f32 [hbm:s2], $0x80, s15, s6, $0xb8;
	[tilespmem:$0x1AA00] =	vst v63  }
0x4f: {  	_ =	swait.ge [sflag:s8], $0x18000  }
0x50: {  	[sflag:s8] =	ssyncset.done $0x0  }
0x51: {  	s16 =	rddreg [dreg:$0x9];
	[sflag:s8] =	ssyncadd.s32 $0xFFFE8000  }
0x52: {  	[hbm4b:s16+s3] =	stream.linear.scatter [tilespmem:s7], [sflag:$0x2], $0x18000, $0x38;
	[tilespmem:$0x1AA00] =	vst v63  }
0x53: {  	_ =	swait.ge [sflag:s4], $0x18000  }
0x54: {  	[sflag:s4] =	ssyncset.done $0x0  }
0x55: {  	s16 =	simm.s32 $0xF00;
	[sflag:s4] =	ssyncadd.s32 $0xFFFE8000  }
0x56: {  	[tilespmem:s7], [sflag:$0x1] =	stream.indirect.gather [hbm4b:s2+s6], $0x80, s16, s6, $0xb8;
	[tilespmem:$0x1AA00] =	vst v63  }
0x57: {  	_ =	swait.ge [sflag:s8], $0x18000  }
0x58: {  	[sflag:s8] =	ssyncset.done $0x0  }
0x59: {  	s17 =	simm.s32 $0x2400;
	[sflag:s8] =	ssyncadd.s32 $0xFFFE8000  }
0x5a: {  	[tilespmem:s7], [sflag:$0x1] =	stream.indirect.gather.add.f32 [hbm:s2], $0x80, s17, s6, $0xb8;
	[tilespmem:$0x1AA00] =	vst v63  }
0x5b: {  	_ =	swait.ge [sflag:s8], $0x18000  }
0x5c: {  	[sflag:s8] =	ssyncset.done $0x0  }
0x5d: {  	s18 =	rddreg [dreg:$0xa];
	[sflag:s8] =	ssyncadd.s32 $0xFFFE8000  }
0x5e: {  	[hbm4b:s18+s3] =	stream.linear.scatter [tilespmem:s7], [sflag:$0x2], $0x18000, $0x38;
	[tilespmem:$0x1AA00] =	vst v63  }
0x5f: {  	_ =	swait.ge [sflag:s4], $0x18000  }
0x60: {  	[sflag:s4] =	ssyncset.done $0x0  }
0x61: {  	s18 =	simm.s32 $0x1200;
	[sflag:s4] =	ssyncadd.s32 $0xFFFE8000  }
0x62: {  	[tilespmem:s7], [sflag:$0x1] =	stream.indirect.gather [hbm4b:s2+s6], $0x80, s18, s6, $0xb8;
	[tilespmem:$0x1AA00] =	vst v63  }
0x63: {  	_ =	swait.ge [sflag:s8], $0x18000  }
0x64: {  	[sflag:s8] =	ssyncset.done $0x0  }
0x65: {  	s19 =	simm.s32 $0x2700;
	[sflag:s8] =	ssyncadd.s32 $0xFFFE8000  }
0x66: {  	[tilespmem:s7], [sflag:$0x1] =	stream.indirect.gather.add.f32 [hbm:s2], $0x80, s19, s6, $0xb8;
	[tilespmem:$0x1AA00] =	vst v63  }
0x67: {  	_ =	swait.ge [sflag:s8], $0x18000  }
0x68: {  	[sflag:s8] =	ssyncset.done $0x0  }
0x69: {  	s20 =	rddreg [dreg:$0xb];
	[sflag:s8] =	ssyncadd.s32 $0xFFFE8000  }
0x6a: {  	[hbm4b:s20+s3] =	stream.linear.scatter [tilespmem:s7], [sflag:$0x2], $0x18000, $0x38;
	[tilespmem:$0x1AA00] =	vst v63  }
0x6b: {  	_ =	swait.ge [sflag:s4], $0x18000  }
0x6c: {  	[sflag:s4] =	ssyncset.done $0x0  }
0x6d: {  	s20 =	sadd.s32 $0xA2000, s2;
	[sflag:s4] =	ssyncadd.s32 $0xFFFE8000  }
0x6e: {  	[tilespmem:s7], [sflag:$0x1] =	stream.indirect.gather [hbm4b:s20+s6], $0x80, s3, s6, $0xb8;
	[tilespmem:$0x1AA00] =	vst v63  }
0x6f: {  	_ =	swait.ge [sflag:s8], $0x18000  }
0x70: {  	[sflag:s8] =	ssyncset.done $0x0  }
0x71: {  	[sflag:s8] =	ssyncadd.s32 $0xFFFE8000  }
0x72: {  	[tilespmem:s7], [sflag:$0x1] =	stream.indirect.gather.add.f32 [hbm:s20], $0x80, s5, s6, $0xb8;
	[tilespmem:$0x1AA00] =	vst v63  }
0x73: {  	_ =	swait.ge [sflag:s8], $0x18000  }
0x74: {  	s31 =	sadd.s32 $0x2AB200, s21;
	[sflag:s8] =	ssyncset.done $0x0  }
0x75: {  	s21 =	sadd.s32 s30, s31;
	[sflag:s8] =	ssyncadd.s32 $0xFFFE8000  }
0x76: {  	[hbm4b:s21+s3] =	stream.linear.scatter [tilespmem:s7], [sflag:$0x2], $0x18000, $0x38;
	[tilespmem:$0x1AA00] =	vst v63  }
0x77: {  	_ =	swait.ge [sflag:s4], $0x18000  }
0x78: {  	[sflag:s4] =	ssyncset.done $0x0  }
0x79: {  	[sflag:s4] =	ssyncadd.s32 $0xFFFE8000  }
0x7a: {  	[tilespmem:s7], [sflag:$0x1] =	stream.indirect.gather [hbm4b:s20+s6], $0x80, s6, s6, $0xb8;
	[tilespmem:$0x1AA00] =	vst v63  }
0x7b: {  	_ =	swait.ge [sflag:s8], $0x18000  }
0x7c: {  	[sflag:s8] =	ssyncset.done $0x0  }
0x7d: {  	[sflag:s8] =	ssyncadd.s32 $0xFFFE8000  }
0x7e: {  	[tilespmem:s7], [sflag:$0x1] =	stream.indirect.gather.add.f32 [hbm:s20], $0x80, s9, s6, $0xb8;
	[tilespmem:$0x1AA00] =	vst v63  }
0x7f: {  	_ =	swait.ge [sflag:s8], $0x18000  }
0x80: {  	[sflag:s8] =	ssyncset.done $0x0  }
0x81: {  	s22 =	sadd.s32 s22, s31;
	[sflag:s8] =	ssyncadd.s32 $0xFFFE8000  }
0x82: {  	[hbm4b:s22+s3] =	stream.linear.scatter [tilespmem:s7], [sflag:$0x2], $0x18000, $0x38;
	[tilespmem:$0x1AA00] =	vst v63  }
0x83: {  	_ =	swait.ge [sflag:s4], $0x18000  }
0x84: {  	[sflag:s4] =	ssyncset.done $0x0  }
0x85: {  	[sflag:s4] =	ssyncadd.s32 $0xFFFE8000  }
0x86: {  	[tilespmem:s7], [sflag:$0x1] =	stream.indirect.gather [hbm4b:s20+s6], $0x80, s10, s6, $0xb8;
	[tilespmem:$0x1AA00] =	vst v63  }
0x87: {  	_ =	swait.ge [sflag:s8], $0x18000  }
0x88: {  	[sflag:s8] =	ssyncset.done $0x0  }
0x89: {  	[sflag:s8] =	ssyncadd.s32 $0xFFFE8000  }
0x8a: {  	[tilespmem:s7], [sflag:$0x1] =	stream.indirect.gather.add.f32 [hbm:s20], $0x80, s11, s6, $0xb8;
	[tilespmem:$0x1AA00] =	vst v63  }
0x8b: {  	_ =	swait.ge [sflag:s8], $0x18000  }
0x8c: {  	[sflag:s8] =	ssyncset.done $0x0  }
0x8d: {  	s23 =	sadd.s32 s23, s31;
	[sflag:s8] =	ssyncadd.s32 $0xFFFE8000  }
0x8e: {  	[hbm4b:s23+s3] =	stream.linear.scatter [tilespmem:s7], [sflag:$0x2], $0x18000, $0x38;
	[tilespmem:$0x1AA00] =	vst v63  }
0x8f: {  	_ =	swait.ge [sflag:s4], $0x18000  }
0x90: {  	[sflag:s4] =	ssyncset.done $0x0  }
0x91: {  	[sflag:s4] =	ssyncadd.s32 $0xFFFE8000  }
0x92: {  	[tilespmem:s7], [sflag:$0x1] =	stream.indirect.gather [hbm4b:s20+s6], $0x80, s12, s6, $0xb8;
	[tilespmem:$0x1AA00] =	vst v63  }
0x93: {  	_ =	swait.ge [sflag:s8], $0x18000  }
0x94: {  	[sflag:s8] =	ssyncset.done $0x0  }
0x95: {  	[sflag:s8] =	ssyncadd.s32 $0xFFFE8000  }
0x96: {  	[tilespmem:s7], [sflag:$0x1] =	stream.indirect.gather.add.f32 [hbm:s20], $0x80, s13, s6, $0xb8;
	[tilespmem:$0x1AA00] =	vst v63  }
0x97: {  	_ =	swait.ge [sflag:s8], $0x18000  }
0x98: {  	[sflag:s8] =	ssyncset.done $0x0  }
0x99: {  	s24 =	sadd.s32 s24, s31;
	[sflag:s8] =	ssyncadd.s32 $0xFFFE8000  }
0x9a: {  	[hbm4b:s24+s3] =	stream.linear.scatter [tilespmem:s7], [sflag:$0x2], $0x18000, $0x38;
	[tilespmem:$0x1AA00] =	vst v63  }
0x9b: {  	_ =	swait.ge [sflag:s4], $0x18000  }
0x9c: {  	[sflag:s4] =	ssyncset.done $0x0  }
0x9d: {  	[sflag:s4] =	ssyncadd.s32 $0xFFFE8000  }
0x9e: {  	[tilespmem:s7], [sflag:$0x1] =	stream.indirect.gather [hbm4b:s20+s6], $0x80, s14, s6, $0xb8;
	[tilespmem:$0x1AA00] =	vst v63  }
0x9f: {  	_ =	swait.ge [sflag:s8], $0x18000  }
0xa0: {  	[sflag:s8] =	ssyncset.done $0x0  }
0xa1: {  	[sflag:s8] =	ssyncadd.s32 $0xFFFE8000  }
0xa2: {  	[tilespmem:s7], [sflag:$0x1] =	stream.indirect.gather.add.f32 [hbm:s20], $0x80, s15, s6, $0xb8;
	[tilespmem:$0x1AA00] =	vst v63  }
0xa3: {  	_ =	swait.ge [sflag:s8], $0x18000  }
0xa4: {  	[sflag:s8] =	ssyncset.done $0x0  }
0xa5: {  	s25 =	sadd.s32 s25, s31;
	[sflag:s8] =	ssyncadd.s32 $0xFFFE8000  }
0xa6: {  	[hbm4b:s25+s3] =	stream.linear.scatter [tilespmem:s7], [sflag:$0x2], $0x18000, $0x38;
	[tilespmem:$0x1AA00] =	vst v63  }
0xa7: {  	_ =	swait.ge [sflag:s4], $0x18000  }
0xa8: {  	[sflag:s4] =	ssyncset.done $0x0  }
0xa9: {  	[sflag:s4] =	ssyncadd.s32 $0xFFFE8000  }
0xaa: {  	[tilespmem:s7], [sflag:$0x1] =	stream.indirect.gather [hbm4b:s20+s6], $0x80, s16, s6, $0xb8;
	[tilespmem:$0x1AA00] =	vst v63  }
0xab: {  	_ =	swait.ge [sflag:s8], $0x18000  }
0xac: {  	[sflag:s8] =	ssyncset.done $0x0  }
0xad: {  	[sflag:s8] =	ssyncadd.s32 $0xFFFE8000  }
0xae: {  	[tilespmem:s7], [sflag:$0x1] =	stream.indirect.gather.add.f32 [hbm:s20], $0x80, s17, s6, $0xb8;
	[tilespmem:$0x1AA00] =	vst v63  }
0xaf: {  	_ =	swait.ge [sflag:s8], $0x18000  }
0xb0: {  	[sflag:s8] =	ssyncset.done $0x0  }
0xb1: {  	s26 =	sadd.s32 s26, s31;
	[sflag:s8] =	ssyncadd.s32 $0xFFFE8000  }
0xb2: {  	[hbm4b:s26+s3] =	stream.linear.scatter [tilespmem:s7], [sflag:$0x2], $0x18000, $0x38;
	[tilespmem:$0x1AA00] =	vst v63  }
0xb3: {  	_ =	swait.ge [sflag:s4], $0x18000  }
0xb4: {  	s28 =	ssub.s32 $0x2, s28;
	[sflag:s4] =	ssyncset.done $0x0  }
0xb5: {  	s30 =	sshrl.u32 s28, $0x1;
	[sflag:s4] =	ssyncadd.s32 $0xFFFE8000  }
0xb6: {  	[tilespmem:s7], [sflag:$0x1] =	stream.indirect.gather [hbm4b:s20+s6], $0x80, s18, s6, $0xb8;
	[tilespmem:$0x1AA00] =	vst v63  }
0xb7: {  	s30 =	ssub.s32 s28, s30;
	_ =	swait.ge [sflag:s8], $0x18000  }
0xb8: {  	s28 =	sadd.s32 s29, s31;
	s29 =	smax.u32 s30, $0x1;
	[sflag:s8] =	ssyncset.done $0x0  }
0xb9: {  	p0 =	sne.s32 s29, $0x1;
	[sflag:s8] =	ssyncadd.s32 $0xFFFE8000  }
0xba: {  	[tilespmem:s7], [sflag:$0x1] =	stream.indirect.gather.add.f32 [hbm:s20], $0x80, s19, s6, $0xb8;
	[tilespmem:$0x1AA00] =	vst v63  }
.Ltmp0:
0xbb: {  	_ =	swait.ge [sflag:s8], $0x18000;
	(pc) =	sbr.rel @!p0 .LBB2_2-.Ltmp0, $4  }
0xbc: {  	[sflag:s8] =	ssyncset.done $0x0  }
0xbd: {  	[sflag:s8] =	ssyncadd.s32 $0xFFFE8000  }
0xbe: {  	[hbm4b:s28+s3] =	stream.linear.scatter [tilespmem:s7], [sflag:$0x2], $0x18000, $0x38;
	[tilespmem:$0x1AA00] =	vst v63  }
0xbf: {  	s29 =	sadd.s32 $0xFFFFFFFF, s29;
	_ =	swait.ge [sflag:s4], $0x18000  }
.LBB2_1:
0xc0: {  	[sflag:s4] =	ssyncset.done $0x0  }
0xc1: {  	s30 =	rddreg [dreg:$0x3];
	[sflag:s4] =	ssyncadd.s32 $0xFFFE8000  }
0xc2: {  	[tilespmem:s3], [sflag:$0x2] =	stream.linear.gather [hbm4b:s30+s3], $0x1500, $0x38;
	[tilespmem:$0x1AA00] =	vst v63  }
0xc3: {  	_ =	swait.ge [sflag:s4], $0x1500  }
0xc4: {  	[sflag:s4] =	ssyncset.done $0x0  }
0xc5: {  	s31 =	rddreg [dreg:$0x4];
	[sflag:s4] =	ssyncadd.s32 $0xFFFFEB00  }
0xc6: {  	[tilespmem:s5], [sflag:$0x2] =	stream.linear.gather [hbm4b:s31+s3], $0x1500, $0x38;
	[tilespmem:$0x1AA00] =	vst v63  }
0xc7: {  	_ =	swait.ge [sflag:s4], $0x1500  }
0xc8: {  	[sflag:s4] =	ssyncset.done $0x0  }
0xc9: {  	[sflag:s4] =	ssyncadd.s32 $0xFFFFEB00  }
0xca: {  	[tilespmem:s7], [sflag:$0x1] =	stream.indirect.gather [hbm4b:s2+s6], $0x80, s3, s6, $0xb8;
	[tilespmem:$0x1AA00] =	vst v63  }
0xcb: {  	_ =	swait.ge [sflag:s8], $0x18000  }
0xcc: {  	[sflag:s8] =	ssyncset.done $0x0  }
0xcd: {  	[sflag:s8] =	ssyncadd.s32 $0xFFFE8000  }
0xce: {  	[tilespmem:s7], [sflag:$0x1] =	stream.indirect.gather.add.f32 [hbm:s2], $0x80, s5, s6, $0xb8;
	[tilespmem:$0x1AA00] =	vst v63  }
0xcf: {  	_ =	swait.ge [sflag:s8], $0x18000  }
0xd0: {  	[sflag:s8] =	ssyncset.done $0x0  }
0xd1: {  	s31 =	rddreg [dreg:$0x5];
	[sflag:s8] =	ssyncadd.s32 $0xFFFE8000  }
0xd2: {  	[hbm4b:s31+s3] =	stream.linear.scatter [tilespmem:s7], [sflag:$0x2], $0x18000, $0x38;
	[tilespmem:$0x1AA00] =	vst v63  }
0xd3: {  	_ =	swait.ge [sflag:s4], $0x18000  }
0xd4: {  	[sflag:s4] =	ssyncset.done $0x0  }
0xd5: {  	[sflag:s4] =	ssyncadd.s32 $0xFFFE8000  }
0xd6: {  	[tilespmem:s7], [sflag:$0x1] =	stream.indirect.gather [hbm4b:s2+s6], $0x80, s6, s6, $0xb8;
	[tilespmem:$0x1AA00] =	vst v63  }
0xd7: {  	_ =	swait.ge [sflag:s8], $0x18000  }
0xd8: {  	[sflag:s8] =	ssyncset.done $0x0  }
0xd9: {  	[sflag:s8] =	ssyncadd.s32 $0xFFFE8000  }
0xda: {  	[tilespmem:s7], [sflag:$0x1] =	stream.indirect.gather.add.f32 [hbm:s2], $0x80, s9, s6, $0xb8;
	[tilespmem:$0x1AA00] =	vst v63  }
0xdb: {  	_ =	swait.ge [sflag:s8], $0x18000  }
0xdc: {  	[sflag:s8] =	ssyncset.done $0x0  }
0xdd: {  	s31 =	rddreg [dreg:$0x6];
	[sflag:s8] =	ssyncadd.s32 $0xFFFE8000  }
0xde: {  	[hbm4b:s31+s3] =	stream.linear.scatter [tilespmem:s7], [sflag:$0x2], $0x18000, $0x38;
	[tilespmem:$0x1AA00] =	vst v63  }
0xdf: {  	_ =	swait.ge [sflag:s4], $0x18000  }
0xe0: {  	[sflag:s4] =	ssyncset.done $0x0  }
0xe1: {  	[sflag:s4] =	ssyncadd.s32 $0xFFFE8000  }
0xe2: {  	[tilespmem:s7], [sflag:$0x1] =	stream.indirect.gather [hbm4b:s2+s6], $0x80, s10, s6, $0xb8;
	[tilespmem:$0x1AA00] =	vst v63  }
0xe3: {  	_ =	swait.ge [sflag:s8], $0x18000  }
0xe4: {  	[sflag:s8] =	ssyncset.done $0x0  }
0xe5: {  	[sflag:s8] =	ssyncadd.s32 $0xFFFE8000  }
0xe6: {  	[tilespmem:s7], [sflag:$0x1] =	stream.indirect.gather.add.f32 [hbm:s2], $0x80, s11, s6, $0xb8;
	[tilespmem:$0x1AA00] =	vst v63  }
0xe7: {  	_ =	swait.ge [sflag:s8], $0x18000  }
0xe8: {  	[sflag:s8] =	ssyncset.done $0x0  }
0xe9: {  	s31 =	rddreg [dreg:$0x7];
	[sflag:s8] =	ssyncadd.s32 $0xFFFE8000  }
0xea: {  	[hbm4b:s31+s3] =	stream.linear.scatter [tilespmem:s7], [sflag:$0x2], $0x18000, $0x38;
	[tilespmem:$0x1AA00] =	vst v63  }
0xeb: {  	_ =	swait.ge [sflag:s4], $0x18000  }
0xec: {  	[sflag:s4] =	ssyncset.done $0x0  }
0xed: {  	[sflag:s4] =	ssyncadd.s32 $0xFFFE8000  }
0xee: {  	[tilespmem:s7], [sflag:$0x1] =	stream.indirect.gather [hbm4b:s2+s6], $0x80, s12, s6, $0xb8;
	[tilespmem:$0x1AA00] =	vst v63  }
0xef: {  	_ =	swait.ge [sflag:s8], $0x18000  }
0xf0: {  	[sflag:s8] =	ssyncset.done $0x0  }
0xf1: {  	[sflag:s8] =	ssyncadd.s32 $0xFFFE8000  }
0xf2: {  	[tilespmem:s7], [sflag:$0x1] =	stream.indirect.gather.add.f32 [hbm:s2], $0x80, s13, s6, $0xb8;
	[tilespmem:$0x1AA00] =	vst v63  }
0xf3: {  	_ =	swait.ge [sflag:s8], $0x18000  }
0xf4: {  	[sflag:s8] =	ssyncset.done $0x0  }
0xf5: {  	s31 =	rddreg [dreg:$0x8];
	[sflag:s8] =	ssyncadd.s32 $0xFFFE8000  }
0xf6: {  	[hbm4b:s31+s3] =	stream.linear.scatter [tilespmem:s7], [sflag:$0x2], $0x18000, $0x38;
	[tilespmem:$0x1AA00] =	vst v63  }
0xf7: {  	_ =	swait.ge [sflag:s4], $0x18000  }
0xf8: {  	[sflag:s4] =	ssyncset.done $0x0  }
0xf9: {  	[sflag:s4] =	ssyncadd.s32 $0xFFFE8000  }
0xfa: {  	[tilespmem:s7], [sflag:$0x1] =	stream.indirect.gather [hbm4b:s2+s6], $0x80, s14, s6, $0xb8;
	[tilespmem:$0x1AA00] =	vst v63  }
0xfb: {  	_ =	swait.ge [sflag:s8], $0x18000  }
0xfc: {  	[sflag:s8] =	ssyncset.done $0x0  }
0xfd: {  	[sflag:s8] =	ssyncadd.s32 $0xFFFE8000  }
0xfe: {  	[tilespmem:s7], [sflag:$0x1] =	stream.indirect.gather.add.f32 [hbm:s2], $0x80, s15, s6, $0xb8;
	[tilespmem:$0x1AA00] =	vst v63  }
0xff: {  	_ =	swait.ge [sflag:s8], $0x18000  }
0x100: {  	[sflag:s8] =	ssyncset.done $0x0  }
0x101: {  	s31 =	rddreg [dreg:$0x9];
	[sflag:s8] =	ssyncadd.s32 $0xFFFE8000  }
0x102: {  	[hbm4b:s31+s3] =	stream.linear.scatter [tilespmem:s7], [sflag:$0x2], $0x18000, $0x38;
	[tilespmem:$0x1AA00] =	vst v63  }
0x103: {  	_ =	swait.ge [sflag:s4], $0x18000  }
0x104: {  	[sflag:s4] =	ssyncset.done $0x0  }
0x105: {  	[sflag:s4] =	ssyncadd.s32 $0xFFFE8000  }
0x106: {  	[tilespmem:s7], [sflag:$0x1] =	stream.indirect.gather [hbm4b:s2+s6], $0x80, s16, s6, $0xb8;
	[tilespmem:$0x1AA00] =	vst v63  }
0x107: {  	_ =	swait.ge [sflag:s8], $0x18000  }
0x108: {  	[sflag:s8] =	ssyncset.done $0x0  }
0x109: {  	[sflag:s8] =	ssyncadd.s32 $0xFFFE8000  }
0x10a: {  	[tilespmem:s7], [sflag:$0x1] =	stream.indirect.gather.add.f32 [hbm:s2], $0x80, s17, s6, $0xb8;
	[tilespmem:$0x1AA00] =	vst v63  }
0x10b: {  	_ =	swait.ge [sflag:s8], $0x18000  }
0x10c: {  	[sflag:s8] =	ssyncset.done $0x0  }
0x10d: {  	s31 =	rddreg [dreg:$0xa];
	[sflag:s8] =	ssyncadd.s32 $0xFFFE8000  }
0x10e: {  	[hbm4b:s31+s3] =	stream.linear.scatter [tilespmem:s7], [sflag:$0x2], $0x18000, $0x38;
	[tilespmem:$0x1AA00] =	vst v63  }
0x10f: {  	_ =	swait.ge [sflag:s4], $0x18000  }
0x110: {  	[sflag:s4] =	ssyncset.done $0x0  }
0x111: {  	[sflag:s4] =	ssyncadd.s32 $0xFFFE8000  }
0x112: {  	[tilespmem:s7], [sflag:$0x1] =	stream.indirect.gather [hbm4b:s2+s6], $0x80, s18, s6, $0xb8;
	[tilespmem:$0x1AA00] =	vst v63  }
0x113: {  	_ =	swait.ge [sflag:s8], $0x18000  }
0x114: {  	[sflag:s8] =	ssyncset.done $0x0  }
0x115: {  	[sflag:s8] =	ssyncadd.s32 $0xFFFE8000  }
0x116: {  	[tilespmem:s7], [sflag:$0x1] =	stream.indirect.gather.add.f32 [hbm:s2], $0x80, s19, s6, $0xb8;
	[tilespmem:$0x1AA00] =	vst v63  }
0x117: {  	_ =	swait.ge [sflag:s8], $0x18000  }
0x118: {  	[sflag:s8] =	ssyncset.done $0x0  }
0x119: {  	s31 =	rddreg [dreg:$0xb];
	[sflag:s8] =	ssyncadd.s32 $0xFFFE8000  }
0x11a: {  	[hbm4b:s31+s3] =	stream.linear.scatter [tilespmem:s7], [sflag:$0x2], $0x18000, $0x38;
	[tilespmem:$0x1AA00] =	vst v63  }
0x11b: {  	_ =	swait.ge [sflag:s4], $0x18000  }
0x11c: {  	[sflag:s4] =	ssyncset.done $0x0  }
0x11d: {  	[sflag:s4] =	ssyncadd.s32 $0xFFFE8000  }
0x11e: {  	[tilespmem:s7], [sflag:$0x1] =	stream.indirect.gather [hbm4b:s20+s6], $0x80, s3, s6, $0xb8;
	[tilespmem:$0x1AA00] =	vst v63  }
0x11f: {  	_ =	swait.ge [sflag:s8], $0x18000  }
0x120: {  	[sflag:s8] =	ssyncset.done $0x0  }
0x121: {  	[sflag:s8] =	ssyncadd.s32 $0xFFFE8000  }
0x122: {  	[tilespmem:s7], [sflag:$0x1] =	stream.indirect.gather.add.f32 [hbm:s20], $0x80, s5, s6, $0xb8;
	[tilespmem:$0x1AA00] =	vst v63  }
0x123: {  	_ =	swait.ge [sflag:s8], $0x18000  }
0x124: {  	[sflag:s8] =	ssyncset.done $0x0  }
0x125: {  	[sflag:s8] =	ssyncadd.s32 $0xFFFE8000  }
0x126: {  	[hbm4b:s21+s3] =	stream.linear.scatter [tilespmem:s7], [sflag:$0x2], $0x18000, $0x38;
	[tilespmem:$0x1AA00] =	vst v63  }
0x127: {  	_ =	swait.ge [sflag:s4], $0x18000  }
0x128: {  	[sflag:s4] =	ssyncset.done $0x0  }
0x129: {  	[sflag:s4] =	ssyncadd.s32 $0xFFFE8000  }
0x12a: {  	[tilespmem:s7], [sflag:$0x1] =	stream.indirect.gather [hbm4b:s20+s6], $0x80, s6, s6, $0xb8;
	[tilespmem:$0x1AA00] =	vst v63  }
0x12b: {  	_ =	swait.ge [sflag:s8], $0x18000  }
0x12c: {  	[sflag:s8] =	ssyncset.done $0x0  }
0x12d: {  	[sflag:s8] =	ssyncadd.s32 $0xFFFE8000  }
0x12e: {  	[tilespmem:s7], [sflag:$0x1] =	stream.indirect.gather.add.f32 [hbm:s20], $0x80, s9, s6, $0xb8;
	[tilespmem:$0x1AA00] =	vst v63  }
0x12f: {  	_ =	swait.ge [sflag:s8], $0x18000  }
0x130: {  	[sflag:s8] =	ssyncset.done $0x0  }
0x131: {  	[sflag:s8] =	ssyncadd.s32 $0xFFFE8000  }
0x132: {  	[hbm4b:s22+s3] =	stream.linear.scatter [tilespmem:s7], [sflag:$0x2], $0x18000, $0x38;
	[tilespmem:$0x1AA00] =	vst v63  }
0x133: {  	_ =	swait.ge [sflag:s4], $0x18000  }
0x134: {  	[sflag:s4] =	ssyncset.done $0x0  }
0x135: {  	[sflag:s4] =	ssyncadd.s32 $0xFFFE8000  }
0x136: {  	[tilespmem:s7], [sflag:$0x1] =	stream.indirect.gather [hbm4b:s20+s6], $0x80, s10, s6, $0xb8;
	[tilespmem:$0x1AA00] =	vst v63  }
0x137: {  	_ =	swait.ge [sflag:s8], $0x18000  }
0x138: {  	[sflag:s8] =	ssyncset.done $0x0  }
0x139: {  	[sflag:s8] =	ssyncadd.s32 $0xFFFE8000  }
0x13a: {  	[tilespmem:s7], [sflag:$0x1] =	stream.indirect.gather.add.f32 [hbm:s20], $0x80, s11, s6, $0xb8;
	[tilespmem:$0x1AA00] =	vst v63  }
0x13b: {  	_ =	swait.ge [sflag:s8], $0x18000  }
0x13c: {  	[sflag:s8] =	ssyncset.done $0x0  }
0x13d: {  	[sflag:s8] =	ssyncadd.s32 $0xFFFE8000  }
0x13e: {  	[hbm4b:s23+s3] =	stream.linear.scatter [tilespmem:s7], [sflag:$0x2], $0x18000, $0x38;
	[tilespmem:$0x1AA00] =	vst v63  }
0x13f: {  	_ =	swait.ge [sflag:s4], $0x18000  }
0x140: {  	[sflag:s4] =	ssyncset.done $0x0  }
0x141: {  	[sflag:s4] =	ssyncadd.s32 $0xFFFE8000  }
0x142: {  	[tilespmem:s7], [sflag:$0x1] =	stream.indirect.gather [hbm4b:s20+s6], $0x80, s12, s6, $0xb8;
	[tilespmem:$0x1AA00] =	vst v63  }
0x143: {  	_ =	swait.ge [sflag:s8], $0x18000  }
0x144: {  	[sflag:s8] =	ssyncset.done $0x0  }
0x145: {  	[sflag:s8] =	ssyncadd.s32 $0xFFFE8000  }
0x146: {  	[tilespmem:s7], [sflag:$0x1] =	stream.indirect.gather.add.f32 [hbm:s20], $0x80, s13, s6, $0xb8;
	[tilespmem:$0x1AA00] =	vst v63  }
0x147: {  	_ =	swait.ge [sflag:s8], $0x18000  }
0x148: {  	[sflag:s8] =	ssyncset.done $0x0  }
0x149: {  	[sflag:s8] =	ssyncadd.s32 $0xFFFE8000  }
0x14a: {  	[hbm4b:s24+s3] =	stream.linear.scatter [tilespmem:s7], [sflag:$0x2], $0x18000, $0x38;
	[tilespmem:$0x1AA00] =	vst v63  }
0x14b: {  	_ =	swait.ge [sflag:s4], $0x18000  }
0x14c: {  	[sflag:s4] =	ssyncset.done $0x0  }
0x14d: {  	[sflag:s4] =	ssyncadd.s32 $0xFFFE8000  }
0x14e: {  	[tilespmem:s7], [sflag:$0x1] =	stream.indirect.gather [hbm4b:s20+s6], $0x80, s14, s6, $0xb8;
	[tilespmem:$0x1AA00] =	vst v63  }
0x14f: {  	_ =	swait.ge [sflag:s8], $0x18000  }
0x150: {  	[sflag:s8] =	ssyncset.done $0x0  }
0x151: {  	[sflag:s8] =	ssyncadd.s32 $0xFFFE8000  }
0x152: {  	[tilespmem:s7], [sflag:$0x1] =	stream.indirect.gather.add.f32 [hbm:s20], $0x80, s15, s6, $0xb8;
	[tilespmem:$0x1AA00] =	vst v63  }
0x153: {  	_ =	swait.ge [sflag:s8], $0x18000  }
0x154: {  	[sflag:s8] =	ssyncset.done $0x0  }
0x155: {  	[sflag:s8] =	ssyncadd.s32 $0xFFFE8000  }
0x156: {  	[hbm4b:s25+s3] =	stream.linear.scatter [tilespmem:s7], [sflag:$0x2], $0x18000, $0x38;
	[tilespmem:$0x1AA00] =	vst v63  }
0x157: {  	_ =	swait.ge [sflag:s4], $0x18000  }
0x158: {  	[sflag:s4] =	ssyncset.done $0x0  }
0x159: {  	[sflag:s4] =	ssyncadd.s32 $0xFFFE8000  }
0x15a: {  	[tilespmem:s7], [sflag:$0x1] =	stream.indirect.gather [hbm4b:s20+s6], $0x80, s16, s6, $0xb8;
	[tilespmem:$0x1AA00] =	vst v63  }
0x15b: {  	_ =	swait.ge [sflag:s8], $0x18000  }
0x15c: {  	[sflag:s8] =	ssyncset.done $0x0  }
0x15d: {  	[sflag:s8] =	ssyncadd.s32 $0xFFFE8000  }
0x15e: {  	[tilespmem:s7], [sflag:$0x1] =	stream.indirect.gather.add.f32 [hbm:s20], $0x80, s17, s6, $0xb8;
	[tilespmem:$0x1AA00] =	vst v63  }
0x15f: {  	_ =	swait.ge [sflag:s8], $0x18000  }
0x160: {  	[sflag:s8] =	ssyncset.done $0x0  }
0x161: {  	[sflag:s8] =	ssyncadd.s32 $0xFFFE8000  }
0x162: {  	[hbm4b:s26+s3] =	stream.linear.scatter [tilespmem:s7], [sflag:$0x2], $0x18000, $0x38;
	[tilespmem:$0x1AA00] =	vst v63  }
0x163: {  	_ =	swait.ge [sflag:s4], $0x18000  }
0x164: {  	[sflag:s4] =	ssyncset.done $0x0  }
0x165: {  	[sflag:s4] =	ssyncadd.s32 $0xFFFE8000  }
0x166: {  	[tilespmem:s7], [sflag:$0x1] =	stream.indirect.gather [hbm4b:s20+s6], $0x80, s18, s6, $0xb8;
	[tilespmem:$0x1AA00] =	vst v63  }
0x167: {  	_ =	swait.ge [sflag:s8], $0x18000  }
0x168: {  	[sflag:s8] =	ssyncset.done $0x0  }
0x169: {  	p0 =	sne.s32 s29, $0x1;
	[sflag:s8] =	ssyncadd.s32 $0xFFFE8000  }
0x16a: {  	[tilespmem:s7], [sflag:$0x1] =	stream.indirect.gather.add.f32 [hbm:s20], $0x80, s19, s6, $0xb8;
	[tilespmem:$0x1AA00] =	vst v63  }
.Ltmp1:
0x16b: {  	_ =	swait.ge [sflag:s8], $0x18000;
	(pc) =	sbr.rel @p0 .LBB2_1-.Ltmp1, $4  }
0x16c: {  	[sflag:s8] =	ssyncset.done $0x0  }
0x16d: {  	[sflag:s8] =	ssyncadd.s32 $0xFFFE8000  }
0x16e: {  	[hbm4b:s28+s3] =	stream.linear.scatter [tilespmem:s7], [sflag:$0x2], $0x18000, $0x38;
	[tilespmem:$0x1AA00] =	vst v63  }
0x16f: {  	s29 =	sadd.s32 $0xFFFFFFFF, s29;
	_ =	swait.ge [sflag:s4], $0x18000  }
.LBB2_2:
0x170: {  	[sflag:s4] =	ssyncset.done $0x0  }
0x171: {  	[sflag:s4] =	ssyncadd.s32 $0xFFFE8000  }
0x172: {  	_ =	sfence.sel $0x180000  }
0x173: {  	[bflag:$0x0] =	sbarrier.arrive $0xFFFF  }
0x174: {  	p0 =	sne.s32 s0, $0x0;
	_ =	strace $0x90000047  }
0x175: {  	s0 =	sadd.s32 @!p0 $0x100000, s1;
	[bflag:$0x2] =	sbarrier.arrive $0xFFFF  }
0x176: {  	[sflag:s0] =	ssyncadd.tile.s32 @!p0 $0x1;
	_ =	shalt  }
.Lfunc_end2:
_tile_overlayer_lowered:
.L_overlay_start_2:
0x177: {  	(tag) =	ssettag $0x2  }
0x178: {  	s0 =	rddreg [dreg:$0x0];
	s2 =	stileid.u32  }
0x179: {  	s1 =	rddreg [dreg:$0x1];
	p0 =	sne.s32 s2, $0x0  }
0x17a: {  	s3 =	rddreg [dreg:$0x2];
	[bflag:$0x3] =	sbarrier.arrive $0xFFFF;
	s2 =	simm.s32 @!p0 $0x1C02  }
0x17b: {  	[timem:s3], [sflag:s2] =	dma.local @!p0 [hbm:s0], s1  }
0x17c: {  	s0 =	simm.s32 @!p0 $0x2  }
0x17d: {  	_ =	swait.ge @!p0 [sflag:s0], s1  }
0x17e: {  	s1 =	ssub.s32 @!p0 $0x0, s1;
	[sflag:s0] =	ssyncset.done @!p0 $0x0  }
0x17f: {  	[sflag:s0] =	ssyncadd.s32 @!p0 s1  }
0x180: {  	[bflag:$0x3] =	sbarrier.arrive $0xFFFF  }
0x181: {  	_ =	shalt  }

</sc_bundles>
